<compile_context>
chip_gen: v7x
topology: tpu7x:2x2x1
jax: 0.10.2.dev20260603
libtpu: 0.0.44.dev20260713+nightly
codegen_flags: <defaults>
</compile_context>

<pallas_src>
import functools

import jax
import jax.numpy as jnp
from jax import lax
from jax.experimental import pallas as pl
from jax.experimental.pallas import tpu as pltpu
from jax.experimental.pallas import tpu_sc as plsc

TOPK = 8
TOKEN_TILE = 2048
_NC, _NS, _L = 2, 16, 16
_NW = _NC * _NS
_SC_CHUNK = 256


def _probs_body(x_ref, w_ref, probs_ref):
    scores = jax.lax.dot_general(
        x_ref[...], w_ref[...], (((1,), (1,)), ((), ())),
        preferred_element_type=jnp.float32,
    )
    e = jnp.exp(scores)
    probs_ref[...] = e / jnp.sum(e, axis=-1, keepdims=True)


def _probs_tc(x, W):
    n_tokens, dim = x.shape
    n_experts = W.shape[0]
    return pl.pallas_call(
        _probs_body,
        grid=(n_tokens // TOKEN_TILE,),
        in_specs=[
            pl.BlockSpec((TOKEN_TILE, dim), lambda i: (i, 0)),
            pl.BlockSpec((n_experts, dim), lambda i: (0, 0)),
        ],
        out_specs=pl.BlockSpec((TOKEN_TILE, n_experts), lambda i: (i, 0)),
        out_shape=jax.ShapeDtypeStruct((n_tokens, n_experts), jnp.float32),
    )(x, W)


def _make_sc_topk(n_tokens, n_experts):
    tok_per_w = n_tokens // _NW
    n_groups = n_experts // _L
    mesh = plsc.VectorSubcoreMesh(
        core_axis_name="c", subcore_axis_name="s",
        num_cores=_NC, num_subcores=_NS,
    )

    @functools.partial(
        pl.kernel,
        out_type=[
            jax.ShapeDtypeStruct((n_tokens * TOPK,), jnp.float32),
            jax.ShapeDtypeStruct((n_tokens * TOPK,), jnp.int32),
        ],
        mesh=mesh,
        scratch_types=[
            pltpu.VMEM((_SC_CHUNK, n_experts), jnp.float32),
            pltpu.VMEM((_SC_CHUNK * TOPK,), jnp.float32),
            pltpu.VMEM((_SC_CHUNK * TOPK,), jnp.int32),
        ],
        compiler_params=pltpu.CompilerParams(needs_layout_passes=False),
    )
    def sc_topk(probs_hbm, vals_hbm, idx_hbm, chunk_v, vals_v, idx_v):
        wid = lax.axis_index("s") * _NC + lax.axis_index("c")
        base = wid * tok_per_w
        iota = lax.iota(jnp.int32, _L)
        lo8 = iota < TOPK
        shift8 = jnp.maximum(iota - TOPK, 0)

        def gather16(v, idx):
            dnums = lax.GatherDimensionNumbers(
                offset_dims=(), collapsed_slice_dims=(0,),
                start_index_map=(0,))
            return lax.gather(
                v, idx[:, None], dnums, (1,),
                mode=lax.GatherScatterMode.PROMISE_IN_BOUNDS)

        def merge(a, b):
            ak, av = a
            bk, bv = b
            ck = jnp.where(lo8, ak, lax.rev(bk, (0,)))
            cv = jnp.where(lo8, av, lax.rev(bv, (0,)))
            return plsc.sort_key_val(ck, cv, descending=True)

        def top8(t):
            s = []
            for g in range(n_groups):
                k = chunk_v[t, pl.ds(g * _L, _L)]
                s.append(plsc.sort_key_val(k, iota + g * _L, descending=True))
            return merge(merge(s[0], s[1]), merge(s[2], s[3]))

        def pair_body(j, carry):
            t0 = 2 * j
            k0, v0 = top8(t0)
            k1, v1 = top8(t0 + 1)
            k1s = gather16(k1, shift8)
            v1s = gather16(v1, shift8)
            vals_v[pl.ds(t0 * TOPK, _L)] = jnp.where(lo8, k0, k1s)
            idx_v[pl.ds(t0 * TOPK, _L)] = jnp.where(lo8, v0, v1s)
            return carry

        for c in range(tok_per_w // _SC_CHUNK):
            row0 = base + c * _SC_CHUNK
            pltpu.sync_copy(probs_hbm.at[pl.ds(row0, _SC_CHUNK)], chunk_v)
            lax.fori_loop(0, _SC_CHUNK // 2, pair_body, 0)
            pltpu.sync_copy(
                vals_v, vals_hbm.at[pl.ds(row0 * TOPK, _SC_CHUNK * TOPK)])
            pltpu.sync_copy(
                idx_v, idx_hbm.at[pl.ds(row0 * TOPK, _SC_CHUNK * TOPK)])

    return sc_topk


@jax.jit
def kernel(x, W):
    n_tokens = x.shape[0]
    n_experts = W.shape[0]
    probs = _probs_tc(x, W)
    vals_f, idx_f = _make_sc_topk(n_tokens, n_experts)(probs)
    return (
        probs,
        vals_f.reshape(n_tokens, TOPK),
        idx_f.reshape(n_tokens, TOPK),
    )

# --- scband reference (transcript-rebuilt; emitter-appended) ---
"""Pipeline reference for scband-gate-24343874633734 (READ-ONLY COPY).

The authoritative reference and input builder live on the scoring server;
editing this copy changes nothing except your own understanding.
"""

import jax, jax.numpy as jnp
import numpy as np

N_TOKENS = 32768
DIM = 768
N_EXPERTS = 64
TOPK = 8
TEMPERATURE = 1.0


def setup_inputs(seed: int = 0) -> dict:
    key = jax.random.key(seed)
    kx, kw = jax.random.split(key)
    x = jax.random.normal(kx, (N_TOKENS, DIM), dtype=jnp.float32)
    # xavier_uniform init for weight [n_experts, dim]
    limit = float(np.sqrt(6.0 / (N_EXPERTS + DIM)))
    W = jax.random.uniform(kw, (N_EXPERTS, DIM), minval=-limit, maxval=limit, dtype=jnp.float32)
    return {"x": x, "W": W}


def reference(x, W):
    # scores = F.linear(x, W) / temperature
    scores = jnp.dot(x, W.T) / TEMPERATURE
    probs = jax.nn.softmax(scores, axis=-1)
    topk_vals, topk_idx = jax.lax.top_k(probs, TOPK)
    return (probs, topk_vals, topk_idx)

if __name__ == "__main__":
    import jax
    _d = setup_inputs()
    print(jax.jit(kernel)(*tuple(_d.values())))

</pallas_src>

<mosaic_0001>
#map = affine_map<(d0, d1) -> (0, 0)>
#map1 = affine_map<(d0, d1) -> (0)>
module attributes {stable_mosaic.version = 14 : i64} {
  func.func @sc_topk(%arg0: i32, %arg1: i32, %arg2: memref<32768x64xf32, #tpu.memory_space<hbm>>, %arg3: memref<262144xf32, #tpu.memory_space<hbm>>, %arg4: memref<262144xi32, #tpu.memory_space<hbm>>, %arg5: memref<256x64xf32, #tpu.memory_space<vmem>>, %arg6: memref<2048xf32, #tpu.memory_space<vmem>>, %arg7: memref<2048xi32, #tpu.memory_space<vmem>>) attributes {dimension_semantics = [#tpu.dimension_semantics<core_parallel>, #tpu.dimension_semantics<subcore_parallel>], iteration_bounds = array<i64: 2, 16>, scalar_prefetch = 0 : i64, scratch_operands = 3 : i64, tpu.core_type = #tpu.core_type<sc_vector_subcore>, window_params = [{transform_indices = #map}, {transform_indices = #map1}, {transform_indices = #map1}]} {
    %mul3A = arith.constant 2 : i32
    %mul3A_0 = arith.muli %arg1, %mul3A : i32
    %add3A = arith.addi %mul3A_0, %arg0 : i32
    %mul3A_1 = arith.constant 1024 : i32
    %mul3A_2 = arith.muli %add3A, %mul3A_1 : i32
    %iota3A = tpu.iota {dimensions = array<i32: 0>} : vector<16xi32>
    %lt3A = arith.constant 8 : i32
    %lt3A_3 = vector.broadcast %lt3A : i32 to vector<16xi32>
    %lt3A_4 = arith.cmpi slt, %iota3A, %lt3A_3 : vector<16xi32>
    %sub3A = arith.constant 8 : i32
    %sub3A_5 = vector.broadcast %sub3A : i32 to vector<16xi32>
    %sub3A_6 = arith.subi %iota3A, %sub3A_5 : vector<16xi32>
    %max3A = arith.constant 0 : i32
    %max3A_7 = vector.broadcast %max3A : i32 to vector<16xi32>
    %max3A_8 = arith.maxsi %sub3A_6, %max3A_7 : vector<16xi32>
    %add3A_9 = arith.constant 0 : i32
    %add3A_10 = arith.addi %mul3A_2, %add3A_9 : i32
    "tpu.region"() ({
      %run_scoped3A = tpu.sem_alloc : memref<!tpu.dma_semaphore, #tpu.memory_space<semaphore_mem>>
      %dma_start3A = arith.constant 0 : i32
      %dma_start3A_56 = tpu.memref_slice %arg2[%add3A_10, %dma_start3A] : memref<32768x64xf32, #tpu.memory_space<hbm>> -> memref<256x64xf32, #tpu.memory_space<hbm>>
      %dma_start3A_57 = arith.constant 0 : i32
      %dma_start3A_58 = tpu.memref_slice %arg2[%add3A_10, %dma_start3A_57] : memref<32768x64xf32, #tpu.memory_space<hbm>> -> memref<256x64xf32, #tpu.memory_space<hbm>>
      tpu.enqueue_dma source(%dma_start3A_58 : memref<256x64xf32, #tpu.memory_space<hbm>>) target(%arg5 : memref<256x64xf32, #tpu.memory_space<vmem>>) target_semaphore(%run_scoped3A : memref<!tpu.dma_semaphore, #tpu.memory_space<semaphore_mem>>)
      %dma_wait3A = arith.constant 0 : i32
      %dma_wait3A_59 = tpu.memref_slice %arg2[%add3A_10, %dma_wait3A] : memref<32768x64xf32, #tpu.memory_space<hbm>> -> memref<256x64xf32, #tpu.memory_space<hbm>>
      %dma_wait3A_60 = arith.constant 0 : i32
      %dma_wait3A_61 = tpu.memref_slice %arg2[%add3A_10, %dma_wait3A_60] : memref<32768x64xf32, #tpu.memory_space<hbm>> -> memref<256x64xf32, #tpu.memory_space<hbm>>
      tpu.wait_dma2 semaphore(%run_scoped3A : memref<!tpu.dma_semaphore, #tpu.memory_space<semaphore_mem>>) src(%dma_wait3A_61 : memref<256x64xf32, #tpu.memory_space<hbm>>) dst(%arg5 : memref<256x64xf32, #tpu.memory_space<vmem>>)
      tpu.yield
    }) : () -> ()
    %scan3A = arith.constant 0 : i32
    %scan3A_11 = arith.constant 0 : i32
    %scan3A_12 = arith.constant 128 : i32
    %scan3A_13 = arith.addi %scan3A_11, %scan3A_12 : i32
    %scan3A_14 = arith.constant 1 : i32
    scf.for %scan3A_56 = %scan3A_11 to %scan3A_13 step %scan3A_14  : i32 {
      %mul3A_57 = arith.constant 2 : i32
      %mul3A_58 = arith.muli %mul3A_57, %scan3A_56 : i32
      %get3A = arith.index_cast %mul3A_58 : i32 to index
      %get3A_59 = arith.constant 0 : index
      %get3A_60 = tpu.vector_load %arg5[%get3A, %get3A_59] {strides = array<i32>} : memref<256x64xf32, #tpu.memory_space<vmem>>, vector<16xf32>,
      %add3A_61 = arith.constant 0 : i32
      %add3A_62 = vector.broadcast %add3A_61 : i32 to vector<16xi32>
      %add3A_63 = arith.addi %iota3A, %add3A_62 : vector<16xi32>
      %masked_sort3A = arith.constant dense<true> : vector<16xi1>
      %masked_sort3A_64, %masked_sort3A_65, %masked_sort3A_66 = tpu.sort %get3A_60, %add3A_63 masked %masked_sort3A {descending = true} : (vector<16xf32>, vector<16xi32>, vector<16xi1>) -> (vector<16xi1>, vector<16xf32>, vector<16xi32>)
      %get3A_67 = arith.index_cast %mul3A_58 : i32 to index
      %get3A_68 = arith.constant 16 : index
      %get3A_69 = tpu.vector_load %arg5[%get3A_67, %get3A_68] {strides = array<i32>} : memref<256x64xf32, #tpu.memory_space<vmem>>, vector<16xf32>,
      %add3A_70 = arith.constant 16 : i32
      %add3A_71 = vector.broadcast %add3A_70 : i32 to vector<16xi32>
      %add3A_72 = arith.addi %iota3A, %add3A_71 : vector<16xi32>
      %masked_sort3A_73 = arith.constant dense<true> : vector<16xi1>
      %masked_sort3A_74, %masked_sort3A_75, %masked_sort3A_76 = tpu.sort %get3A_69, %add3A_72 masked %masked_sort3A_73 {descending = true} : (vector<16xf32>, vector<16xi32>, vector<16xi1>) -> (vector<16xi1>, vector<16xf32>, vector<16xi32>)
      %get3A_77 = arith.index_cast %mul3A_58 : i32 to index
      %get3A_78 = arith.constant 32 : index
      %get3A_79 = tpu.vector_load %arg5[%get3A_77, %get3A_78] {strides = array<i32>} : memref<256x64xf32, #tpu.memory_space<vmem>>, vector<16xf32>,
      %add3A_80 = arith.constant 32 : i32
      %add3A_81 = vector.broadcast %add3A_80 : i32 to vector<16xi32>
      %add3A_82 = arith.addi %iota3A, %add3A_81 : vector<16xi32>
      %masked_sort3A_83 = arith.constant dense<true> : vector<16xi1>
      %masked_sort3A_84, %masked_sort3A_85, %masked_sort3A_86 = tpu.sort %get3A_79, %add3A_82 masked %masked_sort3A_83 {descending = true} : (vector<16xf32>, vector<16xi32>, vector<16xi1>) -> (vector<16xi1>, vector<16xf32>, vector<16xi32>)
      %get3A_87 = arith.index_cast %mul3A_58 : i32 to index
      %get3A_88 = arith.constant 48 : index
      %get3A_89 = tpu.vector_load %arg5[%get3A_87, %get3A_88] {strides = array<i32>} : memref<256x64xf32, #tpu.memory_space<vmem>>, vector<16xf32>,
      %add3A_90 = arith.constant 48 : i32
      %add3A_91 = vector.broadcast %add3A_90 : i32 to vector<16xi32>
      %add3A_92 = arith.addi %iota3A, %add3A_91 : vector<16xi32>
      %masked_sort3A_93 = arith.constant dense<true> : vector<16xi1>
      %masked_sort3A_94, %masked_sort3A_95, %masked_sort3A_96 = tpu.sort %get3A_89, %add3A_92 masked %masked_sort3A_93 {descending = true} : (vector<16xf32>, vector<16xi32>, vector<16xi1>) -> (vector<16xi1>, vector<16xf32>, vector<16xi32>)
      %rev3A = arith.constant 15 : i32
      %rev3A_97 = vector.broadcast %rev3A : i32 to vector<16xi32>
      %rev3A_98 = tpu.iota {dimensions = array<i32: 0>} : vector<16xi32>
      %rev3A_99 = arith.subi %rev3A_97, %rev3A_98 : vector<16xi32>
      %rev3A_100 = tpu.dynamic_gather %masked_sort3A_75[%rev3A_99] in [0] : vector<16xf32>, vector<16xi32> -> vector<16xf32>
      %select_n3A = arith.select %lt3A_4, %masked_sort3A_65, %rev3A_100 : vector<16xi1>, vector<16xf32>
      %rev3A_101 = arith.constant 15 : i32
      %rev3A_102 = vector.broadcast %rev3A_101 : i32 to vector<16xi32>
      %rev3A_103 = tpu.iota {dimensions = array<i32: 0>} : vector<16xi32>
      %rev3A_104 = arith.subi %rev3A_102, %rev3A_103 : vector<16xi32>
      %rev3A_105 = tpu.dynamic_gather %masked_sort3A_76[%rev3A_104] in [0] : vector<16xi32>, vector<16xi32> -> vector<16xi32>
      %select_n3A_106 = arith.select %lt3A_4, %masked_sort3A_66, %rev3A_105 : vector<16xi1>, vector<16xi32>
      %masked_sort3A_107 = arith.constant dense<true> : vector<16xi1>
      %masked_sort3A_108, %masked_sort3A_109, %masked_sort3A_110 = tpu.sort %select_n3A, %select_n3A_106 masked %masked_sort3A_107 {descending = true} : (vector<16xf32>, vector<16xi32>, vector<16xi1>) -> (vector<16xi1>, vector<16xf32>, vector<16xi32>)
      %rev3A_111 = arith.constant 15 : i32
      %rev3A_112 = vector.broadcast %rev3A_111 : i32 to vector<16xi32>
      %rev3A_113 = tpu.iota {dimensions = array<i32: 0>} : vector<16xi32>
      %rev3A_114 = arith.subi %rev3A_112, %rev3A_113 : vector<16xi32>
      %rev3A_115 = tpu.dynamic_gather %masked_sort3A_95[%rev3A_114] in [0] : vector<16xf32>, vector<16xi32> -> vector<16xf32>
      %select_n3A_116 = arith.select %lt3A_4, %masked_sort3A_85, %rev3A_115 : vector<16xi1>, vector<16xf32>
      %rev3A_117 = arith.constant 15 : i32
      %rev3A_118 = vector.broadcast %rev3A_117 : i32 to vector<16xi32>
      %rev3A_119 = tpu.iota {dimensions = array<i32: 0>} : vector<16xi32>
      %rev3A_120 = arith.subi %rev3A_118, %rev3A_119 : vector<16xi32>
      %rev3A_121 = tpu.dynamic_gather %masked_sort3A_96[%rev3A_120] in [0] : vector<16xi32>, vector<16xi32> -> vector<16xi32>
      %select_n3A_122 = arith.select %lt3A_4, %masked_sort3A_86, %rev3A_121 : vector<16xi1>, vector<16xi32>
      %masked_sort3A_123 = arith.constant dense<true> : vector<16xi1>
      %masked_sort3A_124, %masked_sort3A_125, %masked_sort3A_126 = tpu.sort %select_n3A_116, %select_n3A_122 masked %masked_sort3A_123 {descending = true} : (vector<16xf32>, vector<16xi32>, vector<16xi1>) -> (vector<16xi1>, vector<16xf32>, vector<16xi32>)
      %rev3A_127 = arith.constant 15 : i32
      %rev3A_128 = vector.broadcast %rev3A_127 : i32 to vector<16xi32>
      %rev3A_129 = tpu.iota {dimensions = array<i32: 0>} : vector<16xi32>
      %rev3A_130 = arith.subi %rev3A_128, %rev3A_129 : vector<16xi32>
      %rev3A_131 = tpu.dynamic_gather %masked_sort3A_125[%rev3A_130] in [0] : vector<16xf32>, vector<16xi32> -> vector<16xf32>
      %select_n3A_132 = arith.select %lt3A_4, %masked_sort3A_109, %rev3A_131 : vector<16xi1>, vector<16xf32>
      %rev3A_133 = arith.constant 15 : i32
      %rev3A_134 = vector.broadcast %rev3A_133 : i32 to vector<16xi32>
      %rev3A_135 = tpu.iota {dimensions = array<i32: 0>} : vector<16xi32>
      %rev3A_136 = arith.subi %rev3A_134, %rev3A_135 : vector<16xi32>
      %rev3A_137 = tpu.dynamic_gather %masked_sort3A_126[%rev3A_136] in [0] : vector<16xi32>, vector<16xi32> -> vector<16xi32>
      %select_n3A_138 = arith.select %lt3A_4, %masked_sort3A_110, %rev3A_137 : vector<16xi1>, vector<16xi32>
      %masked_sort3A_139 = arith.constant dense<true> : vector<16xi1>
      %masked_sort3A_140, %masked_sort3A_141, %masked_sort3A_142 = tpu.sort %select_n3A_132, %select_n3A_138 masked %masked_sort3A_139 {descending = true} : (vector<16xf32>, vector<16xi32>, vector<16xi1>) -> (vector<16xi1>, vector<16xf32>, vector<16xi32>)
      %add3A_143 = arith.constant 1 : i32
      %add3A_144 = arith.addi %mul3A_58, %add3A_143 : i32
      %get3A_145 = arith.index_cast %add3A_144 : i32 to index
      %get3A_146 = arith.constant 0 : index
      %get3A_147 = tpu.vector_load %arg5[%get3A_145, %get3A_146] {strides = array<i32>} : memref<256x64xf32, #tpu.memory_space<vmem>>, vector<16xf32>,
      %add3A_148 = arith.constant 0 : i32
      %add3A_149 = vector.broadcast %add3A_148 : i32 to vector<16xi32>
      %add3A_150 = arith.addi %iota3A, %add3A_149 : vector<16xi32>
      %masked_sort3A_151 = arith.constant dense<true> : vector<16xi1>
      %masked_sort3A_152, %masked_sort3A_153, %masked_sort3A_154 = tpu.sort %get3A_147, %add3A_150 masked %masked_sort3A_151 {descending = true} : (vector<16xf32>, vector<16xi32>, vector<16xi1>) -> (vector<16xi1>, vector<16xf32>, vector<16xi32>)
      %get3A_155 = arith.index_cast %add3A_144 : i32 to index
      %get3A_156 = arith.constant 16 : index
      %get3A_157 = tpu.vector_load %arg5[%get3A_155, %get3A_156] {strides = array<i32>} : memref<256x64xf32, #tpu.memory_space<vmem>>, vector<16xf32>,
      %add3A_158 = arith.constant 16 : i32
      %add3A_159 = vector.broadcast %add3A_158 : i32 to vector<16xi32>
      %add3A_160 = arith.addi %iota3A, %add3A_159 : vector<16xi32>
      %masked_sort3A_161 = arith.constant dense<true> : vector<16xi1>
      %masked_sort3A_162, %masked_sort3A_163, %masked_sort3A_164 = tpu.sort %get3A_157, %add3A_160 masked %masked_sort3A_161 {descending = true} : (vector<16xf32>, vector<16xi32>, vector<16xi1>) -> (vector<16xi1>, vector<16xf32>, vector<16xi32>)
      %get3A_165 = arith.index_cast %add3A_144 : i32 to index
      %get3A_166 = arith.constant 32 : index
      %get3A_167 = tpu.vector_load %arg5[%get3A_165, %get3A_166] {strides = array<i32>} : memref<256x64xf32, #tpu.memory_space<vmem>>, vector<16xf32>,
      %add3A_168 = arith.constant 32 : i32
      %add3A_169 = vector.broadcast %add3A_168 : i32 to vector<16xi32>
      %add3A_170 = arith.addi %iota3A, %add3A_169 : vector<16xi32>
      %masked_sort3A_171 = arith.constant dense<true> : vector<16xi1>
      %masked_sort3A_172, %masked_sort3A_173, %masked_sort3A_174 = tpu.sort %get3A_167, %add3A_170 masked %masked_sort3A_171 {descending = true} : (vector<16xf32>, vector<16xi32>, vector<16xi1>) -> (vector<16xi1>, vector<16xf32>, vector<16xi32>)
      %get3A_175 = arith.index_cast %add3A_144 : i32 to index
      %get3A_176 = arith.constant 48 : index
      %get3A_177 = tpu.vector_load %arg5[%get3A_175, %get3A_176] {strides = array<i32>} : memref<256x64xf32, #tpu.memory_space<vmem>>, vector<16xf32>,
      %add3A_178 = arith.constant 48 : i32
      %add3A_179 = vector.broadcast %add3A_178 : i32 to vector<16xi32>
      %add3A_180 = arith.addi %iota3A, %add3A_179 : vector<16xi32>
      %masked_sort3A_181 = arith.constant dense<true> : vector<16xi1>
      %masked_sort3A_182, %masked_sort3A_183, %masked_sort3A_184 = tpu.sort %get3A_177, %add3A_180 masked %masked_sort3A_181 {descending = true} : (vector<16xf32>, vector<16xi32>, vector<16xi1>) -> (vector<16xi1>, vector<16xf32>, vector<16xi32>)
      %rev3A_185 = arith.constant 15 : i32
      %rev3A_186 = vector.broadcast %rev3A_185 : i32 to vector<16xi32>
      %rev3A_187 = tpu.iota {dimensions = array<i32: 0>} : vector<16xi32>
      %rev3A_188 = arith.subi %rev3A_186, %rev3A_187 : vector<16xi32>
      %rev3A_189 = tpu.dynamic_gather %masked_sort3A_163[%rev3A_188] in [0] : vector<16xf32>, vector<16xi32> -> vector<16xf32>
      %select_n3A_190 = arith.select %lt3A_4, %masked_sort3A_153, %rev3A_189 : vector<16xi1>, vector<16xf32>
      %rev3A_191 = arith.constant 15 : i32
      %rev3A_192 = vector.broadcast %rev3A_191 : i32 to vector<16xi32>
      %rev3A_193 = tpu.iota {dimensions = array<i32: 0>} : vector<16xi32>
      %rev3A_194 = arith.subi %rev3A_192, %rev3A_193 : vector<16xi32>
      %rev3A_195 = tpu.dynamic_gather %masked_sort3A_164[%rev3A_194] in [0] : vector<16xi32>, vector<16xi32> -> vector<16xi32>
      %select_n3A_196 = arith.select %lt3A_4, %masked_sort3A_154, %rev3A_195 : vector<16xi1>, vector<16xi32>
      %masked_sort3A_197 = arith.constant dense<true> : vector<16xi1>
      %masked_sort3A_198, %masked_sort3A_199, %masked_sort3A_200 = tpu.sort %select_n3A_190, %select_n3A_196 masked %masked_sort3A_197 {descending = true} : (vector<16xf32>, vector<16xi32>, vector<16xi1>) -> (vector<16xi1>, vector<16xf32>, vector<16xi32>)
      %rev3A_201 = arith.constant 15 : i32
      %rev3A_202 = vector.broadcast %rev3A_201 : i32 to vector<16xi32>
      %rev3A_203 = tpu.iota {dimensions = array<i32: 0>} : vector<16xi32>
      %rev3A_204 = arith.subi %rev3A_202, %rev3A_203 : vector<16xi32>
      %rev3A_205 = tpu.dynamic_gather %masked_sort3A_183[%rev3A_204] in [0] : vector<16xf32>, vector<16xi32> -> vector<16xf32>
      %select_n3A_206 = arith.select %lt3A_4, %masked_sort3A_173, %rev3A_205 : vector<16xi1>, vector<16xf32>
      %rev3A_207 = arith.constant 15 : i32
      %rev3A_208 = vector.broadcast %rev3A_207 : i32 to vector<16xi32>
      %rev3A_209 = tpu.iota {dimensions = array<i32: 0>} : vector<16xi32>
      %rev3A_210 = arith.subi %rev3A_208, %rev3A_209 : vector<16xi32>
      %rev3A_211 = tpu.dynamic_gather %masked_sort3A_184[%rev3A_210] in [0] : vector<16xi32>, vector<16xi32> -> vector<16xi32>
      %select_n3A_212 = arith.select %lt3A_4, %masked_sort3A_174, %rev3A_211 : vector<16xi1>, vector<16xi32>
      %masked_sort3A_213 = arith.constant dense<true> : vector<16xi1>
      %masked_sort3A_214, %masked_sort3A_215, %masked_sort3A_216 = tpu.sort %select_n3A_206, %select_n3A_212 masked %masked_sort3A_213 {descending = true} : (vector<16xf32>, vector<16xi32>, vector<16xi1>) -> (vector<16xi1>, vector<16xf32>, vector<16xi32>)
      %rev3A_217 = arith.constant 15 : i32
      %rev3A_218 = vector.broadcast %rev3A_217 : i32 to vector<16xi32>
      %rev3A_219 = tpu.iota {dimensions = array<i32: 0>} : vector<16xi32>
      %rev3A_220 = arith.subi %rev3A_218, %rev3A_219 : vector<16xi32>
      %rev3A_221 = tpu.dynamic_gather %masked_sort3A_215[%rev3A_220] in [0] : vector<16xf32>, vector<16xi32> -> vector<16xf32>
      %select_n3A_222 = arith.select %lt3A_4, %masked_sort3A_199, %rev3A_221 : vector<16xi1>, vector<16xf32>
      %rev3A_223 = arith.constant 15 : i32
      %rev3A_224 = vector.broadcast %rev3A_223 : i32 to vector<16xi32>
      %rev3A_225 = tpu.iota {dimensions = array<i32: 0>} : vector<16xi32>
      %rev3A_226 = arith.subi %rev3A_224, %rev3A_225 : vector<16xi32>
      %rev3A_227 = tpu.dynamic_gather %masked_sort3A_216[%rev3A_226] in [0] : vector<16xi32>, vector<16xi32> -> vector<16xi32>
      %select_n3A_228 = arith.select %lt3A_4, %masked_sort3A_200, %rev3A_227 : vector<16xi1>, vector<16xi32>
      %masked_sort3A_229 = arith.constant dense<true> : vector<16xi1>
      %masked_sort3A_230, %masked_sort3A_231, %masked_sort3A_232 = tpu.sort %select_n3A_222, %select_n3A_228 masked %masked_sort3A_229 {descending = true} : (vector<16xf32>, vector<16xi32>, vector<16xi1>) -> (vector<16xi1>, vector<16xf32>, vector<16xi32>)
      %broadcast_in_dim3A = vector.shape_cast %max3A_8 : vector<16xi32> to vector<16x1xi32>
      %gather3A = vector.shape_cast %broadcast_in_dim3A : vector<16x1xi32> to vector<16xi32>
      %gather3A_233 = tpu.dynamic_gather %masked_sort3A_231[%gather3A] in [0] : vector<16xf32>, vector<16xi32> -> vector<16xf32>
      %broadcast_in_dim3A_234 = vector.shape_cast %max3A_8 : vector<16xi32> to vector<16x1xi32>
      %gather3A_235 = vector.shape_cast %broadcast_in_dim3A_234 : vector<16x1xi32> to vector<16xi32>
      %gather3A_236 = tpu.dynamic_gather %masked_sort3A_232[%gather3A_235] in [0] : vector<16xi32>, vector<16xi32> -> vector<16xi32>
      %select_n3A_237 = arith.select %lt3A_4, %masked_sort3A_141, %gather3A_233 : vector<16xi1>, vector<16xf32>
      %mul3A_238 = arith.constant 8 : i32
      %mul3A_239 = arith.muli %mul3A_58, %mul3A_238 : i32
      %swap3A = arith.index_cast %mul3A_239 : i32 to index
      %swap3A_240 = tpu.vector_load %arg6[%swap3A] {strides = array<i32>} : memref<2048xf32, #tpu.memory_space<vmem>>, vector<16xf32>,
      tpu.vector_store %arg6[%swap3A], %select_n3A_237 {strides = array<i32>} : memref<2048xf32, #tpu.memory_space<vmem>>, vector<16xf32>,
      %select_n3A_241 = arith.select %lt3A_4, %masked_sort3A_142, %gather3A_236 : vector<16xi1>, vector<16xi32>
      %mul3A_242 = arith.constant 8 : i32
      %mul3A_243 = arith.muli %mul3A_58, %mul3A_242 : i32
      %swap3A_244 = arith.index_cast %mul3A_243 : i32 to index
      %swap3A_245 = tpu.vector_load %arg7[%swap3A_244] {strides = array<i32>} : memref<2048xi32, #tpu.memory_space<vmem>>, vector<16xi32>,
      tpu.vector_store %arg7[%swap3A_244], %select_n3A_241 {strides = array<i32>} : memref<2048xi32, #tpu.memory_space<vmem>>, vector<16xi32>,
    }
    %scan3A_15 = arith.constant 128 : i32
    %mul3A_16 = arith.constant 8 : i32
    %mul3A_17 = arith.muli %add3A_10, %mul3A_16 : i32
    "tpu.region"() ({
      %run_scoped3A = tpu.sem_alloc : memref<!tpu.dma_semaphore, #tpu.memory_space<semaphore_mem>>
      %dma_start3A = tpu.memref_slice %arg3[%mul3A_17] : memref<262144xf32, #tpu.memory_space<hbm>> -> memref<2048xf32, #tpu.memory_space<hbm>>
      %dma_start3A_56 = tpu.memref_slice %arg3[%mul3A_17] : memref<262144xf32, #tpu.memory_space<hbm>> -> memref<2048xf32, #tpu.memory_space<hbm>>
      tpu.enqueue_dma source(%arg6 : memref<2048xf32, #tpu.memory_space<vmem>>) target(%dma_start3A_56 : memref<2048xf32, #tpu.memory_space<hbm>>) target_semaphore(%run_scoped3A : memref<!tpu.dma_semaphore, #tpu.memory_space<semaphore_mem>>)
      %dma_wait3A = tpu.memref_slice %arg3[%mul3A_17] : memref<262144xf32, #tpu.memory_space<hbm>> -> memref<2048xf32, #tpu.memory_space<hbm>>
      %dma_wait3A_57 = tpu.memref_slice %arg3[%mul3A_17] : memref<262144xf32, #tpu.memory_space<hbm>> -> memref<2048xf32, #tpu.memory_space<hbm>>
      tpu.wait_dma2 semaphore(%run_scoped3A : memref<!tpu.dma_semaphore, #tpu.memory_space<semaphore_mem>>) src(%arg6 : memref<2048xf32, #tpu.memory_space<vmem>>) dst(%dma_wait3A_57 : memref<2048xf32, #tpu.memory_space<hbm>>)
      tpu.yield
    }) : () -> ()
    %mul3A_18 = arith.constant 8 : i32
    %mul3A_19 = arith.muli %add3A_10, %mul3A_18 : i32
    "tpu.region"() ({
      %run_scoped3A = tpu.sem_alloc : memref<!tpu.dma_semaphore, #tpu.memory_space<semaphore_mem>>
      %dma_start3A = tpu.memref_slice %arg4[%mul3A_19] : memref<262144xi32, #tpu.memory_space<hbm>> -> memref<2048xi32, #tpu.memory_space<hbm>>
      %dma_start3A_56 = tpu.memref_slice %arg4[%mul3A_19] : memref<262144xi32, #tpu.memory_space<hbm>> -> memref<2048xi32, #tpu.memory_space<hbm>>
      tpu.enqueue_dma source(%arg7 : memref<2048xi32, #tpu.memory_space<vmem>>) target(%dma_start3A_56 : memref<2048xi32, #tpu.memory_space<hbm>>) target_semaphore(%run_scoped3A : memref<!tpu.dma_semaphore, #tpu.memory_space<semaphore_mem>>)
      %dma_wait3A = tpu.memref_slice %arg4[%mul3A_19] : memref<262144xi32, #tpu.memory_space<hbm>> -> memref<2048xi32, #tpu.memory_space<hbm>>
      %dma_wait3A_57 = tpu.memref_slice %arg4[%mul3A_19] : memref<262144xi32, #tpu.memory_space<hbm>> -> memref<2048xi32, #tpu.memory_space<hbm>>
      tpu.wait_dma2 semaphore(%run_scoped3A : memref<!tpu.dma_semaphore, #tpu.memory_space<semaphore_mem>>) src(%arg7 : memref<2048xi32, #tpu.memory_space<vmem>>) dst(%dma_wait3A_57 : memref<2048xi32, #tpu.memory_space<hbm>>)
      tpu.yield
    }) : () -> ()
    %add3A_20 = arith.constant 256 : i32
    %add3A_21 = arith.addi %mul3A_2, %add3A_20 : i32
    "tpu.region"() ({
      %run_scoped3A = tpu.sem_alloc : memref<!tpu.dma_semaphore, #tpu.memory_space<semaphore_mem>>
      %dma_start3A = arith.constant 0 : i32
      %dma_start3A_56 = tpu.memref_slice %arg2[%add3A_21, %dma_start3A] : memref<32768x64xf32, #tpu.memory_space<hbm>> -> memref<256x64xf32, #tpu.memory_space<hbm>>
      %dma_start3A_57 = arith.constant 0 : i32
      %dma_start3A_58 = tpu.memref_slice %arg2[%add3A_21, %dma_start3A_57] : memref<32768x64xf32, #tpu.memory_space<hbm>> -> memref<256x64xf32, #tpu.memory_space<hbm>>
      tpu.enqueue_dma source(%dma_start3A_58 : memref<256x64xf32, #tpu.memory_space<hbm>>) target(%arg5 : memref<256x64xf32, #tpu.memory_space<vmem>>) target_semaphore(%run_scoped3A : memref<!tpu.dma_semaphore, #tpu.memory_space<semaphore_mem>>)
      %dma_wait3A = arith.constant 0 : i32
      %dma_wait3A_59 = tpu.memref_slice %arg2[%add3A_21, %dma_wait3A] : memref<32768x64xf32, #tpu.memory_space<hbm>> -> memref<256x64xf32, #tpu.memory_space<hbm>>
      %dma_wait3A_60 = arith.constant 0 : i32
      %dma_wait3A_61 = tpu.memref_slice %arg2[%add3A_21, %dma_wait3A_60] : memref<32768x64xf32, #tpu.memory_space<hbm>> -> memref<256x64xf32, #tpu.memory_space<hbm>>
      tpu.wait_dma2 semaphore(%run_scoped3A : memref<!tpu.dma_semaphore, #tpu.memory_space<semaphore_mem>>) src(%dma_wait3A_61 : memref<256x64xf32, #tpu.memory_space<hbm>>) dst(%arg5 : memref<256x64xf32, #tpu.memory_space<vmem>>)
      tpu.yield
    }) : () -> ()
    %scan3A_22 = arith.constant 0 : i32
    %scan3A_23 = arith.constant 0 : i32
    %scan3A_24 = arith.constant 128 : i32
    %scan3A_25 = arith.addi %scan3A_23, %scan3A_24 : i32
    %scan3A_26 = arith.constant 1 : i32
    scf.for %scan3A_56 = %scan3A_23 to %scan3A_25 step %scan3A_26  : i32 {
      %mul3A_57 = arith.constant 2 : i32
      %mul3A_58 = arith.muli %mul3A_57, %scan3A_56 : i32
      %get3A = arith.index_cast %mul3A_58 : i32 to index
      %get3A_59 = arith.constant 0 : index
      %get3A_60 = tpu.vector_load %arg5[%get3A, %get3A_59] {strides = array<i32>} : memref<256x64xf32, #tpu.memory_space<vmem>>, vector<16xf32>,
      %add3A_61 = arith.constant 0 : i32
      %add3A_62 = vector.broadcast %add3A_61 : i32 to vector<16xi32>
      %add3A_63 = arith.addi %iota3A, %add3A_62 : vector<16xi32>
      %masked_sort3A = arith.constant dense<true> : vector<16xi1>
      %masked_sort3A_64, %masked_sort3A_65, %masked_sort3A_66 = tpu.sort %get3A_60, %add3A_63 masked %masked_sort3A {descending = true} : (vector<16xf32>, vector<16xi32>, vector<16xi1>) -> (vector<16xi1>, vector<16xf32>, vector<16xi32>)
      %get3A_67 = arith.index_cast %mul3A_58 : i32 to index
      %get3A_68 = arith.constant 16 : index
      %get3A_69 = tpu.vector_load %arg5[%get3A_67, %get3A_68] {strides = array<i32>} : memref<256x64xf32, #tpu.memory_space<vmem>>, vector<16xf32>,
      %add3A_70 = arith.constant 16 : i32
      %add3A_71 = vector.broadcast %add3A_70 : i32 to vector<16xi32>
      %add3A_72 = arith.addi %iota3A, %add3A_71 : vector<16xi32>
      %masked_sort3A_73 = arith.constant dense<true> : vector<16xi1>
      %masked_sort3A_74, %masked_sort3A_75, %masked_sort3A_76 = tpu.sort %get3A_69, %add3A_72 masked %masked_sort3A_73 {descending = true} : (vector<16xf32>, vector<16xi32>, vector<16xi1>) -> (vector<16xi1>, vector<16xf32>, vector<16xi32>)
      %get3A_77 = arith.index_cast %mul3A_58 : i32 to index
      %get3A_78 = arith.constant 32 : index
      %get3A_79 = tpu.vector_load %arg5[%get3A_77, %get3A_78] {strides = array<i32>} : memref<256x64xf32, #tpu.memory_space<vmem>>, vector<16xf32>,
      %add3A_80 = arith.constant 32 : i32
      %add3A_81 = vector.broadcast %add3A_80 : i32 to vector<16xi32>
      %add3A_82 = arith.addi %iota3A, %add3A_81 : vector<16xi32>
      %masked_sort3A_83 = arith.constant dense<true> : vector<16xi1>
      %masked_sort3A_84, %masked_sort3A_85, %masked_sort3A_86 = tpu.sort %get3A_79, %add3A_82 masked %masked_sort3A_83 {descending = true} : (vector<16xf32>, vector<16xi32>, vector<16xi1>) -> (vector<16xi1>, vector<16xf32>, vector<16xi32>)
      %get3A_87 = arith.index_cast %mul3A_58 : i32 to index
      %get3A_88 = arith.constant 48 : index
      %get3A_89 = tpu.vector_load %arg5[%get3A_87, %get3A_88] {strides = array<i32>} : memref<256x64xf32, #tpu.memory_space<vmem>>, vector<16xf32>,
      %add3A_90 = arith.constant 48 : i32
      %add3A_91 = vector.broadcast %add3A_90 : i32 to vector<16xi32>
      %add3A_92 = arith.addi %iota3A, %add3A_91 : vector<16xi32>
      %masked_sort3A_93 = arith.constant dense<true> : vector<16xi1>
      %masked_sort3A_94, %masked_sort3A_95, %masked_sort3A_96 = tpu.sort %get3A_89, %add3A_92 masked %masked_sort3A_93 {descending = true} : (vector<16xf32>, vector<16xi32>, vector<16xi1>) -> (vector<16xi1>, vector<16xf32>, vector<16xi32>)
      %rev3A = arith.constant 15 : i32
      %rev3A_97 = vector.broadcast %rev3A : i32 to vector<16xi32>
      %rev3A_98 = tpu.iota {dimensions = array<i32: 0>} : vector<16xi32>
      %rev3A_99 = arith.subi %rev3A_97, %rev3A_98 : vector<16xi32>
      %rev3A_100 = tpu.dynamic_gather %masked_sort3A_75[%rev3A_99] in [0] : vector<16xf32>, vector<16xi32> -> vector<16xf32>
      %select_n3A = arith.select %lt3A_4, %masked_sort3A_65, %rev3A_100 : vector<16xi1>, vector<16xf32>
      %rev3A_101 = arith.constant 15 : i32
      %rev3A_102 = vector.broadcast %rev3A_101 : i32 to vector<16xi32>
      %rev3A_103 = tpu.iota {dimensions = array<i32: 0>} : vector<16xi32>
      %rev3A_104 = arith.subi %rev3A_102, %rev3A_103 : vector<16xi32>
      %rev3A_105 = tpu.dynamic_gather %masked_sort3A_76[%rev3A_104] in [0] : vector<16xi32>, vector<16xi32> -> vector<16xi32>
      %select_n3A_106 = arith.select %lt3A_4, %masked_sort3A_66, %rev3A_105 : vector<16xi1>, vector<16xi32>
      %masked_sort3A_107 = arith.constant dense<true> : vector<16xi1>
      %masked_sort3A_108, %masked_sort3A_109, %masked_sort3A_110 = tpu.sort %select_n3A, %select_n3A_106 masked %masked_sort3A_107 {descending = true} : (vector<16xf32>, vector<16xi32>, vector<16xi1>) -> (vector<16xi1>, vector<16xf32>, vector<16xi32>)
      %rev3A_111 = arith.constant 15 : i32
      %rev3A_112 = vector.broadcast %rev3A_111 : i32 to vector<16xi32>
      %rev3A_113 = tpu.iota {dimensions = array<i32: 0>} : vector<16xi32>
      %rev3A_114 = arith.subi %rev3A_112, %rev3A_113 : vector<16xi32>
      %rev3A_115 = tpu.dynamic_gather %masked_sort3A_95[%rev3A_114] in [0] : vector<16xf32>, vector<16xi32> -> vector<16xf32>
      %select_n3A_116 = arith.select %lt3A_4, %masked_sort3A_85, %rev3A_115 : vector<16xi1>, vector<16xf32>
      %rev3A_117 = arith.constant 15 : i32
      %rev3A_118 = vector.broadcast %rev3A_117 : i32 to vector<16xi32>
      %rev3A_119 = tpu.iota {dimensions = array<i32: 0>} : vector<16xi32>
      %rev3A_120 = arith.subi %rev3A_118, %rev3A_119 : vector<16xi32>
      %rev3A_121 = tpu.dynamic_gather %masked_sort3A_96[%rev3A_120] in [0] : vector<16xi32>, vector<16xi32> -> vector<16xi32>
      %select_n3A_122 = arith.select %lt3A_4, %masked_sort3A_86, %rev3A_121 : vector<16xi1>, vector<16xi32>
      %masked_sort3A_123 = arith.constant dense<true> : vector<16xi1>
      %masked_sort3A_124, %masked_sort3A_125, %masked_sort3A_126 = tpu.sort %select_n3A_116, %select_n3A_122 masked %masked_sort3A_123 {descending = true} : (vector<16xf32>, vector<16xi32>, vector<16xi1>) -> (vector<16xi1>, vector<16xf32>, vector<16xi32>)
      %rev3A_127 = arith.constant 15 : i32
      %rev3A_128 = vector.broadcast %rev3A_127 : i32 to vector<16xi32>
      %rev3A_129 = tpu.iota {dimensions = array<i32: 0>} : vector<16xi32>
      %rev3A_130 = arith.subi %rev3A_128, %rev3A_129 : vector<16xi32>
      %rev3A_131 = tpu.dynamic_gather %masked_sort3A_125[%rev3A_130] in [0] : vector<16xf32>, vector<16xi32> -> vector<16xf32>
      %select_n3A_132 = arith.select %lt3A_4, %masked_sort3A_109, %rev3A_131 : vector<16xi1>, vector<16xf32>
      %rev3A_133 = arith.constant 15 : i32
      %rev3A_134 = vector.broadcast %rev3A_133 : i32 to vector<16xi32>
      %rev3A_135 = tpu.iota {dimensions = array<i32: 0>} : vector<16xi32>
      %rev3A_136 = arith.subi %rev3A_134, %rev3A_135 : vector<16xi32>
      %rev3A_137 = tpu.dynamic_gather %masked_sort3A_126[%rev3A_136] in [0] : vector<16xi32>, vector<16xi32> -> vector<16xi32>
      %select_n3A_138 = arith.select %lt3A_4, %masked_sort3A_110, %rev3A_137 : vector<16xi1>, vector<16xi32>
      %masked_sort3A_139 = arith.constant dense<true> : vector<16xi1>
      %masked_sort3A_140, %masked_sort3A_141, %masked_sort3A_142 = tpu.sort %select_n3A_132, %select_n3A_138 masked %masked_sort3A_139 {descending = true} : (vector<16xf32>, vector<16xi32>, vector<16xi1>) -> (vector<16xi1>, vector<16xf32>, vector<16xi32>)
      %add3A_143 = arith.constant 1 : i32
      %add3A_144 = arith.addi %mul3A_58, %add3A_143 : i32
      %get3A_145 = arith.index_cast %add3A_144 : i32 to index
      %get3A_146 = arith.constant 0 : index
      %get3A_147 = tpu.vector_load %arg5[%get3A_145, %get3A_146] {strides = array<i32>} : memref<256x64xf32, #tpu.memory_space<vmem>>, vector<16xf32>,
      %add3A_148 = arith.constant 0 : i32
      %add3A_149 = vector.broadcast %add3A_148 : i32 to vector<16xi32>
      %add3A_150 = arith.addi %iota3A, %add3A_149 : vector<16xi32>
      %masked_sort3A_151 = arith.constant dense<true> : vector<16xi1>
      %masked_sort3A_152, %masked_sort3A_153, %masked_sort3A_154 = tpu.sort %get3A_147, %add3A_150 masked %masked_sort3A_151 {descending = true} : (vector<16xf32>, vector<16xi32>, vector<16xi1>) -> (vector<16xi1>, vector<16xf32>, vector<16xi32>)
      %get3A_155 = arith.index_cast %add3A_144 : i32 to index
      %get3A_156 = arith.constant 16 : index
      %get3A_157 = tpu.vector_load %arg5[%get3A_155, %get3A_156] {strides = array<i32>} : memref<256x64xf32, #tpu.memory_space<vmem>>, vector<16xf32>,
      %add3A_158 = arith.constant 16 : i32
      %add3A_159 = vector.broadcast %add3A_158 : i32 to vector<16xi32>
      %add3A_160 = arith.addi %iota3A, %add3A_159 : vector<16xi32>
      %masked_sort3A_161 = arith.constant dense<true> : vector<16xi1>
      %masked_sort3A_162, %masked_sort3A_163, %masked_sort3A_164 = tpu.sort %get3A_157, %add3A_160 masked %masked_sort3A_161 {descending = true} : (vector<16xf32>, vector<16xi32>, vector<16xi1>) -> (vector<16xi1>, vector<16xf32>, vector<16xi32>)
      %get3A_165 = arith.index_cast %add3A_144 : i32 to index
      %get3A_166 = arith.constant 32 : index
      %get3A_167 = tpu.vector_load %arg5[%get3A_165, %get3A_166] {strides = array<i32>} : memref<256x64xf32, #tpu.memory_space<vmem>>, vector<16xf32>,
      %add3A_168 = arith.constant 32 : i32
      %add3A_169 = vector.broadcast %add3A_168 : i32 to vector<16xi32>
      %add3A_170 = arith.addi %iota3A, %add3A_169 : vector<16xi32>
      %masked_sort3A_171 = arith.constant dense<true> : vector<16xi1>
      %masked_sort3A_172, %masked_sort3A_173, %masked_sort3A_174 = tpu.sort %get3A_167, %add3A_170 masked %masked_sort3A_171 {descending = true} : (vector<16xf32>, vector<16xi32>, vector<16xi1>) -> (vector<16xi1>, vector<16xf32>, vector<16xi32>)
      %get3A_175 = arith.index_cast %add3A_144 : i32 to index
      %get3A_176 = arith.constant 48 : index
      %get3A_177 = tpu.vector_load %arg5[%get3A_175, %get3A_176] {strides = array<i32>} : memref<256x64xf32, #tpu.memory_space<vmem>>, vector<16xf32>,
      %add3A_178 = arith.constant 48 : i32
      %add3A_179 = vector.broadcast %add3A_178 : i32 to vector<16xi32>
      %add3A_180 = arith.addi %iota3A, %add3A_179 : vector<16xi32>
      %masked_sort3A_181 = arith.constant dense<true> : vector<16xi1>
      %masked_sort3A_182, %masked_sort3A_183, %masked_sort3A_184 = tpu.sort %get3A_177, %add3A_180 masked %masked_sort3A_181 {descending = true} : (vector<16xf32>, vector<16xi32>, vector<16xi1>) -> (vector<16xi1>, vector<16xf32>, vector<16xi32>)
      %rev3A_185 = arith.constant 15 : i32
      %rev3A_186 = vector.broadcast %rev3A_185 : i32 to vector<16xi32>
      %rev3A_187 = tpu.iota {dimensions = array<i32: 0>} : vector<16xi32>
      %rev3A_188 = arith.subi %rev3A_186, %rev3A_187 : vector<16xi32>
      %rev3A_189 = tpu.dynamic_gather %masked_sort3A_163[%rev3A_188] in [0] : vector<16xf32>, vector<16xi32> -> vector<16xf32>
      %select_n3A_190 = arith.select %lt3A_4, %masked_sort3A_153, %rev3A_189 : vector<16xi1>, vector<16xf32>
      %rev3A_191 = arith.constant 15 : i32
      %rev3A_192 = vector.broadcast %rev3A_191 : i32 to vector<16xi32>
      %rev3A_193 = tpu.iota {dimensions = array<i32: 0>} : vector<16xi32>
      %rev3A_194 = arith.subi %rev3A_192, %rev3A_193 : vector<16xi32>
      %rev3A_195 = tpu.dynamic_gather %masked_sort3A_164[%rev3A_194] in [0] : vector<16xi32>, vector<16xi32> -> vector<16xi32>
      %select_n3A_196 = arith.select %lt3A_4, %masked_sort3A_154, %rev3A_195 : vector<16xi1>, vector<16xi32>
      %masked_sort3A_197 = arith.constant dense<true> : vector<16xi1>
      %masked_sort3A_198, %masked_sort3A_199, %masked_sort3A_200 = tpu.sort %select_n3A_190, %select_n3A_196 masked %masked_sort3A_197 {descending = true} : (vector<16xf32>, vector<16xi32>, vector<16xi1>) -> (vector<16xi1>, vector<16xf32>, vector<16xi32>)
      %rev3A_201 = arith.constant 15 : i32
      %rev3A_202 = vector.broadcast %rev3A_201 : i32 to vector<16xi32>
      %rev3A_203 = tpu.iota {dimensions = array<i32: 0>} : vector<16xi32>
      %rev3A_204 = arith.subi %rev3A_202, %rev3A_203 : vector<16xi32>
      %rev3A_205 = tpu.dynamic_gather %masked_sort3A_183[%rev3A_204] in [0] : vector<16xf32>, vector<16xi32> -> vector<16xf32>
      %select_n3A_206 = arith.select %lt3A_4, %masked_sort3A_173, %rev3A_205 : vector<16xi1>, vector<16xf32>
      %rev3A_207 = arith.constant 15 : i32
      %rev3A_208 = vector.broadcast %rev3A_207 : i32 to vector<16xi32>
      %rev3A_209 = tpu.iota {dimensions = array<i32: 0>} : vector<16xi32>
      %rev3A_210 = arith.subi %rev3A_208, %rev3A_209 : vector<16xi32>
      %rev3A_211 = tpu.dynamic_gather %masked_sort3A_184[%rev3A_210] in [0] : vector<16xi32>, vector<16xi32> -> vector<16xi32>
      %select_n3A_212 = arith.select %lt3A_4, %masked_sort3A_174, %rev3A_211 : vector<16xi1>, vector<16xi32>
      %masked_sort3A_213 = arith.constant dense<true> : vector<16xi1>
      %masked_sort3A_214, %masked_sort3A_215, %masked_sort3A_216 = tpu.sort %select_n3A_206, %select_n3A_212 masked %masked_sort3A_213 {descending = true} : (vector<16xf32>, vector<16xi32>, vector<16xi1>) -> (vector<16xi1>, vector<16xf32>, vector<16xi32>)
      %rev3A_217 = arith.constant 15 : i32
      %rev3A_218 = vector.broadcast %rev3A_217 : i32 to vector<16xi32>
      %rev3A_219 = tpu.iota {dimensions = array<i32: 0>} : vector<16xi32>
      %rev3A_220 = arith.subi %rev3A_218, %rev3A_219 : vector<16xi32>
      %rev3A_221 = tpu.dynamic_gather %masked_sort3A_215[%rev3A_220] in [0] : vector<16xf32>, vector<16xi32> -> vector<16xf32>
      %select_n3A_222 = arith.select %lt3A_4, %masked_sort3A_199, %rev3A_221 : vector<16xi1>, vector<16xf32>
      %rev3A_223 = arith.constant 15 : i32
      %rev3A_224 = vector.broadcast %rev3A_223 : i32 to vector<16xi32>
      %rev3A_225 = tpu.iota {dimensions = array<i32: 0>} : vector<16xi32>
      %rev3A_226 = arith.subi %rev3A_224, %rev3A_225 : vector<16xi32>
      %rev3A_227 = tpu.dynamic_gather %masked_sort3A_216[%rev3A_226] in [0] : vector<16xi32>, vector<16xi32> -> vector<16xi32>
      %select_n3A_228 = arith.select %lt3A_4, %masked_sort3A_200, %rev3A_227 : vector<16xi1>, vector<16xi32>
      %masked_sort3A_229 = arith.constant dense<true> : vector<16xi1>
      %masked_sort3A_230, %masked_sort3A_231, %masked_sort3A_232 = tpu.sort %select_n3A_222, %select_n3A_228 masked %masked_sort3A_229 {descending = true} : (vector<16xf32>, vector<16xi32>, vector<16xi1>) -> (vector<16xi1>, vector<16xf32>, vector<16xi32>)
      %broadcast_in_dim3A = vector.shape_cast %max3A_8 : vector<16xi32> to vector<16x1xi32>
      %gather3A = vector.shape_cast %broadcast_in_dim3A : vector<16x1xi32> to vector<16xi32>
      %gather3A_233 = tpu.dynamic_gather %masked_sort3A_231[%gather3A] in [0] : vector<16xf32>, vector<16xi32> -> vector<16xf32>
      %broadcast_in_dim3A_234 = vector.shape_cast %max3A_8 : vector<16xi32> to vector<16x1xi32>
      %gather3A_235 = vector.shape_cast %broadcast_in_dim3A_234 : vector<16x1xi32> to vector<16xi32>
      %gather3A_236 = tpu.dynamic_gather %masked_sort3A_232[%gather3A_235] in [0] : vector<16xi32>, vector<16xi32> -> vector<16xi32>
      %select_n3A_237 = arith.select %lt3A_4, %masked_sort3A_141, %gather3A_233 : vector<16xi1>, vector<16xf32>
      %mul3A_238 = arith.constant 8 : i32
      %mul3A_239 = arith.muli %mul3A_58, %mul3A_238 : i32
      %swap3A = arith.index_cast %mul3A_239 : i32 to index
      %swap3A_240 = tpu.vector_load %arg6[%swap3A] {strides = array<i32>} : memref<2048xf32, #tpu.memory_space<vmem>>, vector<16xf32>,
      tpu.vector_store %arg6[%swap3A], %select_n3A_237 {strides = array<i32>} : memref<2048xf32, #tpu.memory_space<vmem>>, vector<16xf32>,
      %select_n3A_241 = arith.select %lt3A_4, %masked_sort3A_142, %gather3A_236 : vector<16xi1>, vector<16xi32>
      %mul3A_242 = arith.constant 8 : i32
      %mul3A_243 = arith.muli %mul3A_58, %mul3A_242 : i32
      %swap3A_244 = arith.index_cast %mul3A_243 : i32 to index
      %swap3A_245 = tpu.vector_load %arg7[%swap3A_244] {strides = array<i32>} : memref<2048xi32, #tpu.memory_space<vmem>>, vector<16xi32>,
      tpu.vector_store %arg7[%swap3A_244], %select_n3A_241 {strides = array<i32>} : memref<2048xi32, #tpu.memory_space<vmem>>, vector<16xi32>,
    }
    %scan3A_27 = arith.constant 128 : i32
    %mul3A_28 = arith.constant 8 : i32
    %mul3A_29 = arith.muli %add3A_21, %mul3A_28 : i32
    "tpu.region"() ({
      %run_scoped3A = tpu.sem_alloc : memref<!tpu.dma_semaphore, #tpu.memory_space<semaphore_mem>>
      %dma_start3A = tpu.memref_slice %arg3[%mul3A_29] : memref<262144xf32, #tpu.memory_space<hbm>> -> memref<2048xf32, #tpu.memory_space<hbm>>
      %dma_start3A_56 = tpu.memref_slice %arg3[%mul3A_29] : memref<262144xf32, #tpu.memory_space<hbm>> -> memref<2048xf32, #tpu.memory_space<hbm>>
      tpu.enqueue_dma source(%arg6 : memref<2048xf32, #tpu.memory_space<vmem>>) target(%dma_start3A_56 : memref<2048xf32, #tpu.memory_space<hbm>>) target_semaphore(%run_scoped3A : memref<!tpu.dma_semaphore, #tpu.memory_space<semaphore_mem>>)
      %dma_wait3A = tpu.memref_slice %arg3[%mul3A_29] : memref<262144xf32, #tpu.memory_space<hbm>> -> memref<2048xf32, #tpu.memory_space<hbm>>
      %dma_wait3A_57 = tpu.memref_slice %arg3[%mul3A_29] : memref<262144xf32, #tpu.memory_space<hbm>> -> memref<2048xf32, #tpu.memory_space<hbm>>
      tpu.wait_dma2 semaphore(%run_scoped3A : memref<!tpu.dma_semaphore, #tpu.memory_space<semaphore_mem>>) src(%arg6 : memref<2048xf32, #tpu.memory_space<vmem>>) dst(%dma_wait3A_57 : memref<2048xf32, #tpu.memory_space<hbm>>)
      tpu.yield
    }) : () -> ()
    %mul3A_30 = arith.constant 8 : i32
    %mul3A_31 = arith.muli %add3A_21, %mul3A_30 : i32
    "tpu.region"() ({
      %run_scoped3A = tpu.sem_alloc : memref<!tpu.dma_semaphore, #tpu.memory_space<semaphore_mem>>
      %dma_start3A = tpu.memref_slice %arg4[%mul3A_31] : memref<262144xi32, #tpu.memory_space<hbm>> -> memref<2048xi32, #tpu.memory_space<hbm>>
      %dma_start3A_56 = tpu.memref_slice %arg4[%mul3A_31] : memref<262144xi32, #tpu.memory_space<hbm>> -> memref<2048xi32, #tpu.memory_space<hbm>>
      tpu.enqueue_dma source(%arg7 : memref<2048xi32, #tpu.memory_space<vmem>>) target(%dma_start3A_56 : memref<2048xi32, #tpu.memory_space<hbm>>) target_semaphore(%run_scoped3A : memref<!tpu.dma_semaphore, #tpu.memory_space<semaphore_mem>>)
      %dma_wait3A = tpu.memref_slice %arg4[%mul3A_31] : memref<262144xi32, #tpu.memory_space<hbm>> -> memref<2048xi32, #tpu.memory_space<hbm>>
      %dma_wait3A_57 = tpu.memref_slice %arg4[%mul3A_31] : memref<262144xi32, #tpu.memory_space<hbm>> -> memref<2048xi32, #tpu.memory_space<hbm>>
      tpu.wait_dma2 semaphore(%run_scoped3A : memref<!tpu.dma_semaphore, #tpu.memory_space<semaphore_mem>>) src(%arg7 : memref<2048xi32, #tpu.memory_space<vmem>>) dst(%dma_wait3A_57 : memref<2048xi32, #tpu.memory_space<hbm>>)
      tpu.yield
    }) : () -> ()
    %add3A_32 = arith.constant 512 : i32
    %add3A_33 = arith.addi %mul3A_2, %add3A_32 : i32
    "tpu.region"() ({
      %run_scoped3A = tpu.sem_alloc : memref<!tpu.dma_semaphore, #tpu.memory_space<semaphore_mem>>
      %dma_start3A = arith.constant 0 : i32
      %dma_start3A_56 = tpu.memref_slice %arg2[%add3A_33, %dma_start3A] : memref<32768x64xf32, #tpu.memory_space<hbm>> -> memref<256x64xf32, #tpu.memory_space<hbm>>
      %dma_start3A_57 = arith.constant 0 : i32
      %dma_start3A_58 = tpu.memref_slice %arg2[%add3A_33, %dma_start3A_57] : memref<32768x64xf32, #tpu.memory_space<hbm>> -> memref<256x64xf32, #tpu.memory_space<hbm>>
      tpu.enqueue_dma source(%dma_start3A_58 : memref<256x64xf32, #tpu.memory_space<hbm>>) target(%arg5 : memref<256x64xf32, #tpu.memory_space<vmem>>) target_semaphore(%run_scoped3A : memref<!tpu.dma_semaphore, #tpu.memory_space<semaphore_mem>>)
      %dma_wait3A = arith.constant 0 : i32
      %dma_wait3A_59 = tpu.memref_slice %arg2[%add3A_33, %dma_wait3A] : memref<32768x64xf32, #tpu.memory_space<hbm>> -> memref<256x64xf32, #tpu.memory_space<hbm>>
      %dma_wait3A_60 = arith.constant 0 : i32
      %dma_wait3A_61 = tpu.memref_slice %arg2[%add3A_33, %dma_wait3A_60] : memref<32768x64xf32, #tpu.memory_space<hbm>> -> memref<256x64xf32, #tpu.memory_space<hbm>>
      tpu.wait_dma2 semaphore(%run_scoped3A : memref<!tpu.dma_semaphore, #tpu.memory_space<semaphore_mem>>) src(%dma_wait3A_61 : memref<256x64xf32, #tpu.memory_space<hbm>>) dst(%arg5 : memref<256x64xf32, #tpu.memory_space<vmem>>)
      tpu.yield
    }) : () -> ()
    %scan3A_34 = arith.constant 0 : i32
    %scan3A_35 = arith.constant 0 : i32
    %scan3A_36 = arith.constant 128 : i32
    %scan3A_37 = arith.addi %scan3A_35, %scan3A_36 : i32
    %scan3A_38 = arith.constant 1 : i32
    scf.for %scan3A_56 = %scan3A_35 to %scan3A_37 step %scan3A_38  : i32 {
      %mul3A_57 = arith.constant 2 : i32
      %mul3A_58 = arith.muli %mul3A_57, %scan3A_56 : i32
      %get3A = arith.index_cast %mul3A_58 : i32 to index
      %get3A_59 = arith.constant 0 : index
      %get3A_60 = tpu.vector_load %arg5[%get3A, %get3A_59] {strides = array<i32>} : memref<256x64xf32, #tpu.memory_space<vmem>>, vector<16xf32>,
      %add3A_61 = arith.constant 0 : i32
      %add3A_62 = vector.broadcast %add3A_61 : i32 to vector<16xi32>
      %add3A_63 = arith.addi %iota3A, %add3A_62 : vector<16xi32>
      %masked_sort3A = arith.constant dense<true> : vector<16xi1>
      %masked_sort3A_64, %masked_sort3A_65, %masked_sort3A_66 = tpu.sort %get3A_60, %add3A_63 masked %masked_sort3A {descending = true} : (vector<16xf32>, vector<16xi32>, vector<16xi1>) -> (vector<16xi1>, vector<16xf32>, vector<16xi32>)
      %get3A_67 = arith.index_cast %mul3A_58 : i32 to index
      %get3A_68 = arith.constant 16 : index
      %get3A_69 = tpu.vector_load %arg5[%get3A_67, %get3A_68] {strides = array<i32>} : memref<256x64xf32, #tpu.memory_space<vmem>>, vector<16xf32>,
      %add3A_70 = arith.constant 16 : i32
      %add3A_71 = vector.broadcast %add3A_70 : i32 to vector<16xi32>
      %add3A_72 = arith.addi %iota3A, %add3A_71 : vector<16xi32>
      %masked_sort3A_73 = arith.constant dense<true> : vector<16xi1>
      %masked_sort3A_74, %masked_sort3A_75, %masked_sort3A_76 = tpu.sort %get3A_69, %add3A_72 masked %masked_sort3A_73 {descending = true} : (vector<16xf32>, vector<16xi32>, vector<16xi1>) -> (vector<16xi1>, vector<16xf32>, vector<16xi32>)
      %get3A_77 = arith.index_cast %mul3A_58 : i32 to index
      %get3A_78 = arith.constant 32 : index
      %get3A_79 = tpu.vector_load %arg5[%get3A_77, %get3A_78] {strides = array<i32>} : memref<256x64xf32, #tpu.memory_space<vmem>>, vector<16xf32>,
      %add3A_80 = arith.constant 32 : i32
      %add3A_81 = vector.broadcast %add3A_80 : i32 to vector<16xi32>
      %add3A_82 = arith.addi %iota3A, %add3A_81 : vector<16xi32>
      %masked_sort3A_83 = arith.constant dense<true> : vector<16xi1>
      %masked_sort3A_84, %masked_sort3A_85, %masked_sort3A_86 = tpu.sort %get3A_79, %add3A_82 masked %masked_sort3A_83 {descending = true} : (vector<16xf32>, vector<16xi32>, vector<16xi1>) -> (vector<16xi1>, vector<16xf32>, vector<16xi32>)
      %get3A_87 = arith.index_cast %mul3A_58 : i32 to index
      %get3A_88 = arith.constant 48 : index
      %get3A_89 = tpu.vector_load %arg5[%get3A_87, %get3A_88] {strides = array<i32>} : memref<256x64xf32, #tpu.memory_space<vmem>>, vector<16xf32>,
      %add3A_90 = arith.constant 48 : i32
      %add3A_91 = vector.broadcast %add3A_90 : i32 to vector<16xi32>
      %add3A_92 = arith.addi %iota3A, %add3A_91 : vector<16xi32>
      %masked_sort3A_93 = arith.constant dense<true> : vector<16xi1>
      %masked_sort3A_94, %masked_sort3A_95, %masked_sort3A_96 = tpu.sort %get3A_89, %add3A_92 masked %masked_sort3A_93 {descending = true} : (vector<16xf32>, vector<16xi32>, vector<16xi1>) -> (vector<16xi1>, vector<16xf32>, vector<16xi32>)
      %rev3A = arith.constant 15 : i32
      %rev3A_97 = vector.broadcast %rev3A : i32 to vector<16xi32>
      %rev3A_98 = tpu.iota {dimensions = array<i32: 0>} : vector<16xi32>
      %rev3A_99 = arith.subi %rev3A_97, %rev3A_98 : vector<16xi32>
      %rev3A_100 = tpu.dynamic_gather %masked_sort3A_75[%rev3A_99] in [0] : vector<16xf32>, vector<16xi32> -> vector<16xf32>
      %select_n3A = arith.select %lt3A_4, %masked_sort3A_65, %rev3A_100 : vector<16xi1>, vector<16xf32>
      %rev3A_101 = arith.constant 15 : i32
      %rev3A_102 = vector.broadcast %rev3A_101 : i32 to vector<16xi32>
      %rev3A_103 = tpu.iota {dimensions = array<i32: 0>} : vector<16xi32>
      %rev3A_104 = arith.subi %rev3A_102, %rev3A_103 : vector<16xi32>
      %rev3A_105 = tpu.dynamic_gather %masked_sort3A_76[%rev3A_104] in [0] : vector<16xi32>, vector<16xi32> -> vector<16xi32>
      %select_n3A_106 = arith.select %lt3A_4, %masked_sort3A_66, %rev3A_105 : vector<16xi1>, vector<16xi32>
      %masked_sort3A_107 = arith.constant dense<true> : vector<16xi1>
      %masked_sort3A_108, %masked_sort3A_109, %masked_sort3A_110 = tpu.sort %select_n3A, %select_n3A_106 masked %masked_sort3A_107 {descending = true} : (vector<16xf32>, vector<16xi32>, vector<16xi1>) -> (vector<16xi1>, vector<16xf32>, vector<16xi32>)
      %rev3A_111 = arith.constant 15 : i32
      %rev3A_112 = vector.broadcast %rev3A_111 : i32 to vector<16xi32>
      %rev3A_113 = tpu.iota {dimensions = array<i32: 0>} : vector<16xi32>
      %rev3A_114 = arith.subi %rev3A_112, %rev3A_113 : vector<16xi32>
      %rev3A_115 = tpu.dynamic_gather %masked_sort3A_95[%rev3A_114] in [0] : vector<16xf32>, vector<16xi32> -> vector<16xf32>
      %select_n3A_116 = arith.select %lt3A_4, %masked_sort3A_85, %rev3A_115 : vector<16xi1>, vector<16xf32>
      %rev3A_117 = arith.constant 15 : i32
      %rev3A_118 = vector.broadcast %rev3A_117 : i32 to vector<16xi32>
      %rev3A_119 = tpu.iota {dimensions = array<i32: 0>} : vector<16xi32>
      %rev3A_120 = arith.subi %rev3A_118, %rev3A_119 : vector<16xi32>
      %rev3A_121 = tpu.dynamic_gather %masked_sort3A_96[%rev3A_120] in [0] : vector<16xi32>, vector<16xi32> -> vector<16xi32>
      %select_n3A_122 = arith.select %lt3A_4, %masked_sort3A_86, %rev3A_121 : vector<16xi1>, vector<16xi32>
      %masked_sort3A_123 = arith.constant dense<true> : vector<16xi1>
      %masked_sort3A_124, %masked_sort3A_125, %masked_sort3A_126 = tpu.sort %select_n3A_116, %select_n3A_122 masked %masked_sort3A_123 {descending = true} : (vector<16xf32>, vector<16xi32>, vector<16xi1>) -> (vector<16xi1>, vector<16xf32>, vector<16xi32>)
      %rev3A_127 = arith.constant 15 : i32
      %rev3A_128 = vector.broadcast %rev3A_127 : i32 to vector<16xi32>
      %rev3A_129 = tpu.iota {dimensions = array<i32: 0>} : vector<16xi32>
      %rev3A_130 = arith.subi %rev3A_128, %rev3A_129 : vector<16xi32>
      %rev3A_131 = tpu.dynamic_gather %masked_sort3A_125[%rev3A_130] in [0] : vector<16xf32>, vector<16xi32> -> vector<16xf32>
      %select_n3A_132 = arith.select %lt3A_4, %masked_sort3A_109, %rev3A_131 : vector<16xi1>, vector<16xf32>
      %rev3A_133 = arith.constant 15 : i32
      %rev3A_134 = vector.broadcast %rev3A_133 : i32 to vector<16xi32>
      %rev3A_135 = tpu.iota {dimensions = array<i32: 0>} : vector<16xi32>
      %rev3A_136 = arith.subi %rev3A_134, %rev3A_135 : vector<16xi32>
      %rev3A_137 = tpu.dynamic_gather %masked_sort3A_126[%rev3A_136] in [0] : vector<16xi32>, vector<16xi32> -> vector<16xi32>
      %select_n3A_138 = arith.select %lt3A_4, %masked_sort3A_110, %rev3A_137 : vector<16xi1>, vector<16xi32>
      %masked_sort3A_139 = arith.constant dense<true> : vector<16xi1>
      %masked_sort3A_140, %masked_sort3A_141, %masked_sort3A_142 = tpu.sort %select_n3A_132, %select_n3A_138 masked %masked_sort3A_139 {descending = true} : (vector<16xf32>, vector<16xi32>, vector<16xi1>) -> (vector<16xi1>, vector<16xf32>, vector<16xi32>)
      %add3A_143 = arith.constant 1 : i32
      %add3A_144 = arith.addi %mul3A_58, %add3A_143 : i32
      %get3A_145 = arith.index_cast %add3A_144 : i32 to index
      %get3A_146 = arith.constant 0 : index
      %get3A_147 = tpu.vector_load %arg5[%get3A_145, %get3A_146] {strides = array<i32>} : memref<256x64xf32, #tpu.memory_space<vmem>>, vector<16xf32>,
      %add3A_148 = arith.constant 0 : i32
      %add3A_149 = vector.broadcast %add3A_148 : i32 to vector<16xi32>
      %add3A_150 = arith.addi %iota3A, %add3A_149 : vector<16xi32>
      %masked_sort3A_151 = arith.constant dense<true> : vector<16xi1>
      %masked_sort3A_152, %masked_sort3A_153, %masked_sort3A_154 = tpu.sort %get3A_147, %add3A_150 masked %masked_sort3A_151 {descending = true} : (vector<16xf32>, vector<16xi32>, vector<16xi1>) -> (vector<16xi1>, vector<16xf32>, vector<16xi32>)
      %get3A_155 = arith.index_cast %add3A_144 : i32 to index
      %get3A_156 = arith.constant 16 : index
      %get3A_157 = tpu.vector_load %arg5[%get3A_155, %get3A_156] {strides = array<i32>} : memref<256x64xf32, #tpu.memory_space<vmem>>, vector<16xf32>,
      %add3A_158 = arith.constant 16 : i32
      %add3A_159 = vector.broadcast %add3A_158 : i32 to vector<16xi32>
      %add3A_160 = arith.addi %iota3A, %add3A_159 : vector<16xi32>
      %masked_sort3A_161 = arith.constant dense<true> : vector<16xi1>
      %masked_sort3A_162, %masked_sort3A_163, %masked_sort3A_164 = tpu.sort %get3A_157, %add3A_160 masked %masked_sort3A_161 {descending = true} : (vector<16xf32>, vector<16xi32>, vector<16xi1>) -> (vector<16xi1>, vector<16xf32>, vector<16xi32>)
      %get3A_165 = arith.index_cast %add3A_144 : i32 to index
      %get3A_166 = arith.constant 32 : index
      %get3A_167 = tpu.vector_load %arg5[%get3A_165, %get3A_166] {strides = array<i32>} : memref<256x64xf32, #tpu.memory_space<vmem>>, vector<16xf32>,
      %add3A_168 = arith.constant 32 : i32
      %add3A_169 = vector.broadcast %add3A_168 : i32 to vector<16xi32>
      %add3A_170 = arith.addi %iota3A, %add3A_169 : vector<16xi32>
      %masked_sort3A_171 = arith.constant dense<true> : vector<16xi1>
      %masked_sort3A_172, %masked_sort3A_173, %masked_sort3A_174 = tpu.sort %get3A_167, %add3A_170 masked %masked_sort3A_171 {descending = true} : (vector<16xf32>, vector<16xi32>, vector<16xi1>) -> (vector<16xi1>, vector<16xf32>, vector<16xi32>)
      %get3A_175 = arith.index_cast %add3A_144 : i32 to index
      %get3A_176 = arith.constant 48 : index
      %get3A_177 = tpu.vector_load %arg5[%get3A_175, %get3A_176] {strides = array<i32>} : memref<256x64xf32, #tpu.memory_space<vmem>>, vector<16xf32>,
      %add3A_178 = arith.constant 48 : i32
      %add3A_179 = vector.broadcast %add3A_178 : i32 to vector<16xi32>
      %add3A_180 = arith.addi %iota3A, %add3A_179 : vector<16xi32>
      %masked_sort3A_181 = arith.constant dense<true> : vector<16xi1>
      %masked_sort3A_182, %masked_sort3A_183, %masked_sort3A_184 = tpu.sort %get3A_177, %add3A_180 masked %masked_sort3A_181 {descending = true} : (vector<16xf32>, vector<16xi32>, vector<16xi1>) -> (vector<16xi1>, vector<16xf32>, vector<16xi32>)
      %rev3A_185 = arith.constant 15 : i32
      %rev3A_186 = vector.broadcast %rev3A_185 : i32 to vector<16xi32>
      %rev3A_187 = tpu.iota {dimensions = array<i32: 0>} : vector<16xi32>
      %rev3A_188 = arith.subi %rev3A_186, %rev3A_187 : vector<16xi32>
      %rev3A_189 = tpu.dynamic_gather %masked_sort3A_163[%rev3A_188] in [0] : vector<16xf32>, vector<16xi32> -> vector<16xf32>
      %select_n3A_190 = arith.select %lt3A_4, %masked_sort3A_153, %rev3A_189 : vector<16xi1>, vector<16xf32>
      %rev3A_191 = arith.constant 15 : i32
      %rev3A_192 = vector.broadcast %rev3A_191 : i32 to vector<16xi32>
      %rev3A_193 = tpu.iota {dimensions = array<i32: 0>} : vector<16xi32>
      %rev3A_194 = arith.subi %rev3A_192, %rev3A_193 : vector<16xi32>
      %rev3A_195 = tpu.dynamic_gather %masked_sort3A_164[%rev3A_194] in [0] : vector<16xi32>, vector<16xi32> -> vector<16xi32>
      %select_n3A_196 = arith.select %lt3A_4, %masked_sort3A_154, %rev3A_195 : vector<16xi1>, vector<16xi32>
      %masked_sort3A_197 = arith.constant dense<true> : vector<16xi1>
      %masked_sort3A_198, %masked_sort3A_199, %masked_sort3A_200 = tpu.sort %select_n3A_190, %select_n3A_196 masked %masked_sort3A_197 {descending = true} : (vector<16xf32>, vector<16xi32>, vector<16xi1>) -> (vector<16xi1>, vector<16xf32>, vector<16xi32>)
      %rev3A_201 = arith.constant 15 : i32
      %rev3A_202 = vector.broadcast %rev3A_201 : i32 to vector<16xi32>
      %rev3A_203 = tpu.iota {dimensions = array<i32: 0>} : vector<16xi32>
      %rev3A_204 = arith.subi %rev3A_202, %rev3A_203 : vector<16xi32>
      %rev3A_205 = tpu.dynamic_gather %masked_sort3A_183[%rev3A_204] in [0] : vector<16xf32>, vector<16xi32> -> vector<16xf32>
      %select_n3A_206 = arith.select %lt3A_4, %masked_sort3A_173, %rev3A_205 : vector<16xi1>, vector<16xf32>
      %rev3A_207 = arith.constant 15 : i32
      %rev3A_208 = vector.broadcast %rev3A_207 : i32 to vector<16xi32>
      %rev3A_209 = tpu.iota {dimensions = array<i32: 0>} : vector<16xi32>
      %rev3A_210 = arith.subi %rev3A_208, %rev3A_209 : vector<16xi32>
      %rev3A_211 = tpu.dynamic_gather %masked_sort3A_184[%rev3A_210] in [0] : vector<16xi32>, vector<16xi32> -> vector<16xi32>
      %select_n3A_212 = arith.select %lt3A_4, %masked_sort3A_174, %rev3A_211 : vector<16xi1>, vector<16xi32>
      %masked_sort3A_213 = arith.constant dense<true> : vector<16xi1>
      %masked_sort3A_214, %masked_sort3A_215, %masked_sort3A_216 = tpu.sort %select_n3A_206, %select_n3A_212 masked %masked_sort3A_213 {descending = true} : (vector<16xf32>, vector<16xi32>, vector<16xi1>) -> (vector<16xi1>, vector<16xf32>, vector<16xi32>)
      %rev3A_217 = arith.constant 15 : i32
      %rev3A_218 = vector.broadcast %rev3A_217 : i32 to vector<16xi32>
      %rev3A_219 = tpu.iota {dimensions = array<i32: 0>} : vector<16xi32>
      %rev3A_220 = arith.subi %rev3A_218, %rev3A_219 : vector<16xi32>
      %rev3A_221 = tpu.dynamic_gather %masked_sort3A_215[%rev3A_220] in [0] : vector<16xf32>, vector<16xi32> -> vector<16xf32>
      %select_n3A_222 = arith.select %lt3A_4, %masked_sort3A_199, %rev3A_221 : vector<16xi1>, vector<16xf32>
      %rev3A_223 = arith.constant 15 : i32
      %rev3A_224 = vector.broadcast %rev3A_223 : i32 to vector<16xi32>
      %rev3A_225 = tpu.iota {dimensions = array<i32: 0>} : vector<16xi32>
      %rev3A_226 = arith.subi %rev3A_224, %rev3A_225 : vector<16xi32>
      %rev3A_227 = tpu.dynamic_gather %masked_sort3A_216[%rev3A_226] in [0] : vector<16xi32>, vector<16xi32> -> vector<16xi32>
      %select_n3A_228 = arith.select %lt3A_4, %masked_sort3A_200, %rev3A_227 : vector<16xi1>, vector<16xi32>
      %masked_sort3A_229 = arith.constant dense<true> : vector<16xi1>
      %masked_sort3A_230, %masked_sort3A_231, %masked_sort3A_232 = tpu.sort %select_n3A_222, %select_n3A_228 masked %masked_sort3A_229 {descending = true} : (vector<16xf32>, vector<16xi32>, vector<16xi1>) -> (vector<16xi1>, vector<16xf32>, vector<16xi32>)
      %broadcast_in_dim3A = vector.shape_cast %max3A_8 : vector<16xi32> to vector<16x1xi32>
      %gather3A = vector.shape_cast %broadcast_in_dim3A : vector<16x1xi32> to vector<16xi32>
      %gather3A_233 = tpu.dynamic_gather %masked_sort3A_231[%gather3A] in [0] : vector<16xf32>, vector<16xi32> -> vector<16xf32>
      %broadcast_in_dim3A_234 = vector.shape_cast %max3A_8 : vector<16xi32> to vector<16x1xi32>
      %gather3A_235 = vector.shape_cast %broadcast_in_dim3A_234 : vector<16x1xi32> to vector<16xi32>
      %gather3A_236 = tpu.dynamic_gather %masked_sort3A_232[%gather3A_235] in [0] : vector<16xi32>, vector<16xi32> -> vector<16xi32>
      %select_n3A_237 = arith.select %lt3A_4, %masked_sort3A_141, %gather3A_233 : vector<16xi1>, vector<16xf32>
      %mul3A_238 = arith.constant 8 : i32
      %mul3A_239 = arith.muli %mul3A_58, %mul3A_238 : i32
      %swap3A = arith.index_cast %mul3A_239 : i32 to index
      %swap3A_240 = tpu.vector_load %arg6[%swap3A] {strides = array<i32>} : memref<2048xf32, #tpu.memory_space<vmem>>, vector<16xf32>,
      tpu.vector_store %arg6[%swap3A], %select_n3A_237 {strides = array<i32>} : memref<2048xf32, #tpu.memory_space<vmem>>, vector<16xf32>,
      %select_n3A_241 = arith.select %lt3A_4, %masked_sort3A_142, %gather3A_236 : vector<16xi1>, vector<16xi32>
      %mul3A_242 = arith.constant 8 : i32
      %mul3A_243 = arith.muli %mul3A_58, %mul3A_242 : i32
      %swap3A_244 = arith.index_cast %mul3A_243 : i32 to index
      %swap3A_245 = tpu.vector_load %arg7[%swap3A_244] {strides = array<i32>} : memref<2048xi32, #tpu.memory_space<vmem>>, vector<16xi32>,
      tpu.vector_store %arg7[%swap3A_244], %select_n3A_241 {strides = array<i32>} : memref<2048xi32, #tpu.memory_space<vmem>>, vector<16xi32>,
    }
    %scan3A_39 = arith.constant 128 : i32
    %mul3A_40 = arith.constant 8 : i32
    %mul3A_41 = arith.muli %add3A_33, %mul3A_40 : i32
    "tpu.region"() ({
      %run_scoped3A = tpu.sem_alloc : memref<!tpu.dma_semaphore, #tpu.memory_space<semaphore_mem>>
      %dma_start3A = tpu.memref_slice %arg3[%mul3A_41] : memref<262144xf32, #tpu.memory_space<hbm>> -> memref<2048xf32, #tpu.memory_space<hbm>>
      %dma_start3A_56 = tpu.memref_slice %arg3[%mul3A_41] : memref<262144xf32, #tpu.memory_space<hbm>> -> memref<2048xf32, #tpu.memory_space<hbm>>
      tpu.enqueue_dma source(%arg6 : memref<2048xf32, #tpu.memory_space<vmem>>) target(%dma_start3A_56 : memref<2048xf32, #tpu.memory_space<hbm>>) target_semaphore(%run_scoped3A : memref<!tpu.dma_semaphore, #tpu.memory_space<semaphore_mem>>)
      %dma_wait3A = tpu.memref_slice %arg3[%mul3A_41] : memref<262144xf32, #tpu.memory_space<hbm>> -> memref<2048xf32, #tpu.memory_space<hbm>>
      %dma_wait3A_57 = tpu.memref_slice %arg3[%mul3A_41] : memref<262144xf32, #tpu.memory_space<hbm>> -> memref<2048xf32, #tpu.memory_space<hbm>>
      tpu.wait_dma2 semaphore(%run_scoped3A : memref<!tpu.dma_semaphore, #tpu.memory_space<semaphore_mem>>) src(%arg6 : memref<2048xf32, #tpu.memory_space<vmem>>) dst(%dma_wait3A_57 : memref<2048xf32, #tpu.memory_space<hbm>>)
      tpu.yield
    }) : () -> ()
    %mul3A_42 = arith.constant 8 : i32
    %mul3A_43 = arith.muli %add3A_33, %mul3A_42 : i32
    "tpu.region"() ({
      %run_scoped3A = tpu.sem_alloc : memref<!tpu.dma_semaphore, #tpu.memory_space<semaphore_mem>>
      %dma_start3A = tpu.memref_slice %arg4[%mul3A_43] : memref<262144xi32, #tpu.memory_space<hbm>> -> memref<2048xi32, #tpu.memory_space<hbm>>
      %dma_start3A_56 = tpu.memref_slice %arg4[%mul3A_43] : memref<262144xi32, #tpu.memory_space<hbm>> -> memref<2048xi32, #tpu.memory_space<hbm>>
      tpu.enqueue_dma source(%arg7 : memref<2048xi32, #tpu.memory_space<vmem>>) target(%dma_start3A_56 : memref<2048xi32, #tpu.memory_space<hbm>>) target_semaphore(%run_scoped3A : memref<!tpu.dma_semaphore, #tpu.memory_space<semaphore_mem>>)
      %dma_wait3A = tpu.memref_slice %arg4[%mul3A_43] : memref<262144xi32, #tpu.memory_space<hbm>> -> memref<2048xi32, #tpu.memory_space<hbm>>
      %dma_wait3A_57 = tpu.memref_slice %arg4[%mul3A_43] : memref<262144xi32, #tpu.memory_space<hbm>> -> memref<2048xi32, #tpu.memory_space<hbm>>
      tpu.wait_dma2 semaphore(%run_scoped3A : memref<!tpu.dma_semaphore, #tpu.memory_space<semaphore_mem>>) src(%arg7 : memref<2048xi32, #tpu.memory_space<vmem>>) dst(%dma_wait3A_57 : memref<2048xi32, #tpu.memory_space<hbm>>)
      tpu.yield
    }) : () -> ()
    %add3A_44 = arith.constant 768 : i32
    %add3A_45 = arith.addi %mul3A_2, %add3A_44 : i32
    "tpu.region"() ({
      %run_scoped3A = tpu.sem_alloc : memref<!tpu.dma_semaphore, #tpu.memory_space<semaphore_mem>>
      %dma_start3A = arith.constant 0 : i32
      %dma_start3A_56 = tpu.memref_slice %arg2[%add3A_45, %dma_start3A] : memref<32768x64xf32, #tpu.memory_space<hbm>> -> memref<256x64xf32, #tpu.memory_space<hbm>>
      %dma_start3A_57 = arith.constant 0 : i32
      %dma_start3A_58 = tpu.memref_slice %arg2[%add3A_45, %dma_start3A_57] : memref<32768x64xf32, #tpu.memory_space<hbm>> -> memref<256x64xf32, #tpu.memory_space<hbm>>
      tpu.enqueue_dma source(%dma_start3A_58 : memref<256x64xf32, #tpu.memory_space<hbm>>) target(%arg5 : memref<256x64xf32, #tpu.memory_space<vmem>>) target_semaphore(%run_scoped3A : memref<!tpu.dma_semaphore, #tpu.memory_space<semaphore_mem>>)
      %dma_wait3A = arith.constant 0 : i32
      %dma_wait3A_59 = tpu.memref_slice %arg2[%add3A_45, %dma_wait3A] : memref<32768x64xf32, #tpu.memory_space<hbm>> -> memref<256x64xf32, #tpu.memory_space<hbm>>
      %dma_wait3A_60 = arith.constant 0 : i32
      %dma_wait3A_61 = tpu.memref_slice %arg2[%add3A_45, %dma_wait3A_60] : memref<32768x64xf32, #tpu.memory_space<hbm>> -> memref<256x64xf32, #tpu.memory_space<hbm>>
      tpu.wait_dma2 semaphore(%run_scoped3A : memref<!tpu.dma_semaphore, #tpu.memory_space<semaphore_mem>>) src(%dma_wait3A_61 : memref<256x64xf32, #tpu.memory_space<hbm>>) dst(%arg5 : memref<256x64xf32, #tpu.memory_space<vmem>>)
      tpu.yield
    }) : () -> ()
    %scan3A_46 = arith.constant 0 : i32
    %scan3A_47 = arith.constant 0 : i32
    %scan3A_48 = arith.constant 128 : i32
    %scan3A_49 = arith.addi %scan3A_47, %scan3A_48 : i32
    %scan3A_50 = arith.constant 1 : i32
    scf.for %scan3A_56 = %scan3A_47 to %scan3A_49 step %scan3A_50  : i32 {
      %mul3A_57 = arith.constant 2 : i32
      %mul3A_58 = arith.muli %mul3A_57, %scan3A_56 : i32
      %get3A = arith.index_cast %mul3A_58 : i32 to index
      %get3A_59 = arith.constant 0 : index
      %get3A_60 = tpu.vector_load %arg5[%get3A, %get3A_59] {strides = array<i32>} : memref<256x64xf32, #tpu.memory_space<vmem>>, vector<16xf32>,
      %add3A_61 = arith.constant 0 : i32
      %add3A_62 = vector.broadcast %add3A_61 : i32 to vector<16xi32>
      %add3A_63 = arith.addi %iota3A, %add3A_62 : vector<16xi32>
      %masked_sort3A = arith.constant dense<true> : vector<16xi1>
      %masked_sort3A_64, %masked_sort3A_65, %masked_sort3A_66 = tpu.sort %get3A_60, %add3A_63 masked %masked_sort3A {descending = true} : (vector<16xf32>, vector<16xi32>, vector<16xi1>) -> (vector<16xi1>, vector<16xf32>, vector<16xi32>)
      %get3A_67 = arith.index_cast %mul3A_58 : i32 to index
      %get3A_68 = arith.constant 16 : index
      %get3A_69 = tpu.vector_load %arg5[%get3A_67, %get3A_68] {strides = array<i32>} : memref<256x64xf32, #tpu.memory_space<vmem>>, vector<16xf32>,
      %add3A_70 = arith.constant 16 : i32
      %add3A_71 = vector.broadcast %add3A_70 : i32 to vector<16xi32>
      %add3A_72 = arith.addi %iota3A, %add3A_71 : vector<16xi32>
      %masked_sort3A_73 = arith.constant dense<true> : vector<16xi1>
      %masked_sort3A_74, %masked_sort3A_75, %masked_sort3A_76 = tpu.sort %get3A_69, %add3A_72 masked %masked_sort3A_73 {descending = true} : (vector<16xf32>, vector<16xi32>, vector<16xi1>) -> (vector<16xi1>, vector<16xf32>, vector<16xi32>)
      %get3A_77 = arith.index_cast %mul3A_58 : i32 to index
      %get3A_78 = arith.constant 32 : index
      %get3A_79 = tpu.vector_load %arg5[%get3A_77, %get3A_78] {strides = array<i32>} : memref<256x64xf32, #tpu.memory_space<vmem>>, vector<16xf32>,
      %add3A_80 = arith.constant 32 : i32
      %add3A_81 = vector.broadcast %add3A_80 : i32 to vector<16xi32>
      %add3A_82 = arith.addi %iota3A, %add3A_81 : vector<16xi32>
      %masked_sort3A_83 = arith.constant dense<true> : vector<16xi1>
      %masked_sort3A_84, %masked_sort3A_85, %masked_sort3A_86 = tpu.sort %get3A_79, %add3A_82 masked %masked_sort3A_83 {descending = true} : (vector<16xf32>, vector<16xi32>, vector<16xi1>) -> (vector<16xi1>, vector<16xf32>, vector<16xi32>)
      %get3A_87 = arith.index_cast %mul3A_58 : i32 to index
      %get3A_88 = arith.constant 48 : index
      %get3A_89 = tpu.vector_load %arg5[%get3A_87, %get3A_88] {strides = array<i32>} : memref<256x64xf32, #tpu.memory_space<vmem>>, vector<16xf32>,
      %add3A_90 = arith.constant 48 : i32
      %add3A_91 = vector.broadcast %add3A_90 : i32 to vector<16xi32>
      %add3A_92 = arith.addi %iota3A, %add3A_91 : vector<16xi32>
      %masked_sort3A_93 = arith.constant dense<true> : vector<16xi1>
      %masked_sort3A_94, %masked_sort3A_95, %masked_sort3A_96 = tpu.sort %get3A_89, %add3A_92 masked %masked_sort3A_93 {descending = true} : (vector<16xf32>, vector<16xi32>, vector<16xi1>) -> (vector<16xi1>, vector<16xf32>, vector<16xi32>)
      %rev3A = arith.constant 15 : i32
      %rev3A_97 = vector.broadcast %rev3A : i32 to vector<16xi32>
      %rev3A_98 = tpu.iota {dimensions = array<i32: 0>} : vector<16xi32>
      %rev3A_99 = arith.subi %rev3A_97, %rev3A_98 : vector<16xi32>
      %rev3A_100 = tpu.dynamic_gather %masked_sort3A_75[%rev3A_99] in [0] : vector<16xf32>, vector<16xi32> -> vector<16xf32>
      %select_n3A = arith.select %lt3A_4, %masked_sort3A_65, %rev3A_100 : vector<16xi1>, vector<16xf32>
      %rev3A_101 = arith.constant 15 : i32
      %rev3A_102 = vector.broadcast %rev3A_101 : i32 to vector<16xi32>
      %rev3A_103 = tpu.iota {dimensions = array<i32: 0>} : vector<16xi32>
      %rev3A_104 = arith.subi %rev3A_102, %rev3A_103 : vector<16xi32>
      %rev3A_105 = tpu.dynamic_gather %masked_sort3A_76[%rev3A_104] in [0] : vector<16xi32>, vector<16xi32> -> vector<16xi32>
      %select_n3A_106 = arith.select %lt3A_4, %masked_sort3A_66, %rev3A_105 : vector<16xi1>, vector<16xi32>
      %masked_sort3A_107 = arith.constant dense<true> : vector<16xi1>
      %masked_sort3A_108, %masked_sort3A_109, %masked_sort3A_110 = tpu.sort %select_n3A, %select_n3A_106 masked %masked_sort3A_107 {descending = true} : (vector<16xf32>, vector<16xi32>, vector<16xi1>) -> (vector<16xi1>, vector<16xf32>, vector<16xi32>)
      %rev3A_111 = arith.constant 15 : i32
      %rev3A_112 = vector.broadcast %rev3A_111 : i32 to vector<16xi32>
      %rev3A_113 = tpu.iota {dimensions = array<i32: 0>} : vector<16xi32>
      %rev3A_114 = arith.subi %rev3A_112, %rev3A_113 : vector<16xi32>
      %rev3A_115 = tpu.dynamic_gather %masked_sort3A_95[%rev3A_114] in [0] : vector<16xf32>, vector<16xi32> -> vector<16xf32>
      %select_n3A_116 = arith.select %lt3A_4, %masked_sort3A_85, %rev3A_115 : vector<16xi1>, vector<16xf32>
      %rev3A_117 = arith.constant 15 : i32
      %rev3A_118 = vector.broadcast %rev3A_117 : i32 to vector<16xi32>
      %rev3A_119 = tpu.iota {dimensions = array<i32: 0>} : vector<16xi32>
      %rev3A_120 = arith.subi %rev3A_118, %rev3A_119 : vector<16xi32>
      %rev3A_121 = tpu.dynamic_gather %masked_sort3A_96[%rev3A_120] in [0] : vector<16xi32>, vector<16xi32> -> vector<16xi32>
      %select_n3A_122 = arith.select %lt3A_4, %masked_sort3A_86, %rev3A_121 : vector<16xi1>, vector<16xi32>
      %masked_sort3A_123 = arith.constant dense<true> : vector<16xi1>
      %masked_sort3A_124, %masked_sort3A_125, %masked_sort3A_126 = tpu.sort %select_n3A_116, %select_n3A_122 masked %masked_sort3A_123 {descending = true} : (vector<16xf32>, vector<16xi32>, vector<16xi1>) -> (vector<16xi1>, vector<16xf32>, vector<16xi32>)
      %rev3A_127 = arith.constant 15 : i32
      %rev3A_128 = vector.broadcast %rev3A_127 : i32 to vector<16xi32>
      %rev3A_129 = tpu.iota {dimensions = array<i32: 0>} : vector<16xi32>
      %rev3A_130 = arith.subi %rev3A_128, %rev3A_129 : vector<16xi32>
      %rev3A_131 = tpu.dynamic_gather %masked_sort3A_125[%rev3A_130] in [0] : vector<16xf32>, vector<16xi32> -> vector<16xf32>
      %select_n3A_132 = arith.select %lt3A_4, %masked_sort3A_109, %rev3A_131 : vector<16xi1>, vector<16xf32>
      %rev3A_133 = arith.constant 15 : i32
      %rev3A_134 = vector.broadcast %rev3A_133 : i32 to vector<16xi32>
      %rev3A_135 = tpu.iota {dimensions = array<i32: 0>} : vector<16xi32>
      %rev3A_136 = arith.subi %rev3A_134, %rev3A_135 : vector<16xi32>
      %rev3A_137 = tpu.dynamic_gather %masked_sort3A_126[%rev3A_136] in [0] : vector<16xi32>, vector<16xi32> -> vector<16xi32>
      %select_n3A_138 = arith.select %lt3A_4, %masked_sort3A_110, %rev3A_137 : vector<16xi1>, vector<16xi32>
      %masked_sort3A_139 = arith.constant dense<true> : vector<16xi1>
      %masked_sort3A_140, %masked_sort3A_141, %masked_sort3A_142 = tpu.sort %select_n3A_132, %select_n3A_138 masked %masked_sort3A_139 {descending = true} : (vector<16xf32>, vector<16xi32>, vector<16xi1>) -> (vector<16xi1>, vector<16xf32>, vector<16xi32>)
      %add3A_143 = arith.constant 1 : i32
      %add3A_144 = arith.addi %mul3A_58, %add3A_143 : i32
      %get3A_145 = arith.index_cast %add3A_144 : i32 to index
      %get3A_146 = arith.constant 0 : index
      %get3A_147 = tpu.vector_load %arg5[%get3A_145, %get3A_146] {strides = array<i32>} : memref<256x64xf32, #tpu.memory_space<vmem>>, vector<16xf32>,
      %add3A_148 = arith.constant 0 : i32
      %add3A_149 = vector.broadcast %add3A_148 : i32 to vector<16xi32>
      %add3A_150 = arith.addi %iota3A, %add3A_149 : vector<16xi32>
      %masked_sort3A_151 = arith.constant dense<true> : vector<16xi1>
      %masked_sort3A_152, %masked_sort3A_153, %masked_sort3A_154 = tpu.sort %get3A_147, %add3A_150 masked %masked_sort3A_151 {descending = true} : (vector<16xf32>, vector<16xi32>, vector<16xi1>) -> (vector<16xi1>, vector<16xf32>, vector<16xi32>)
      %get3A_155 = arith.index_cast %add3A_144 : i32 to index
      %get3A_156 = arith.constant 16 : index
      %get3A_157 = tpu.vector_load %arg5[%get3A_155, %get3A_156] {strides = array<i32>} : memref<256x64xf32, #tpu.memory_space<vmem>>, vector<16xf32>,
      %add3A_158 = arith.constant 16 : i32
      %add3A_159 = vector.broadcast %add3A_158 : i32 to vector<16xi32>
      %add3A_160 = arith.addi %iota3A, %add3A_159 : vector<16xi32>
      %masked_sort3A_161 = arith.constant dense<true> : vector<16xi1>
      %masked_sort3A_162, %masked_sort3A_163, %masked_sort3A_164 = tpu.sort %get3A_157, %add3A_160 masked %masked_sort3A_161 {descending = true} : (vector<16xf32>, vector<16xi32>, vector<16xi1>) -> (vector<16xi1>, vector<16xf32>, vector<16xi32>)
      %get3A_165 = arith.index_cast %add3A_144 : i32 to index
      %get3A_166 = arith.constant 32 : index
      %get3A_167 = tpu.vector_load %arg5[%get3A_165, %get3A_166] {strides = array<i32>} : memref<256x64xf32, #tpu.memory_space<vmem>>, vector<16xf32>,
      %add3A_168 = arith.constant 32 : i32
      %add3A_169 = vector.broadcast %add3A_168 : i32 to vector<16xi32>
      %add3A_170 = arith.addi %iota3A, %add3A_169 : vector<16xi32>
      %masked_sort3A_171 = arith.constant dense<true> : vector<16xi1>
      %masked_sort3A_172, %masked_sort3A_173, %masked_sort3A_174 = tpu.sort %get3A_167, %add3A_170 masked %masked_sort3A_171 {descending = true} : (vector<16xf32>, vector<16xi32>, vector<16xi1>) -> (vector<16xi1>, vector<16xf32>, vector<16xi32>)
      %get3A_175 = arith.index_cast %add3A_144 : i32 to index
      %get3A_176 = arith.constant 48 : index
      %get3A_177 = tpu.vector_load %arg5[%get3A_175, %get3A_176] {strides = array<i32>} : memref<256x64xf32, #tpu.memory_space<vmem>>, vector<16xf32>,
      %add3A_178 = arith.constant 48 : i32
      %add3A_179 = vector.broadcast %add3A_178 : i32 to vector<16xi32>
      %add3A_180 = arith.addi %iota3A, %add3A_179 : vector<16xi32>
      %masked_sort3A_181 = arith.constant dense<true> : vector<16xi1>
      %masked_sort3A_182, %masked_sort3A_183, %masked_sort3A_184 = tpu.sort %get3A_177, %add3A_180 masked %masked_sort3A_181 {descending = true} : (vector<16xf32>, vector<16xi32>, vector<16xi1>) -> (vector<16xi1>, vector<16xf32>, vector<16xi32>)
      %rev3A_185 = arith.constant 15 : i32
      %rev3A_186 = vector.broadcast %rev3A_185 : i32 to vector<16xi32>
      %rev3A_187 = tpu.iota {dimensions = array<i32: 0>} : vector<16xi32>
      %rev3A_188 = arith.subi %rev3A_186, %rev3A_187 : vector<16xi32>
      %rev3A_189 = tpu.dynamic_gather %masked_sort3A_163[%rev3A_188] in [0] : vector<16xf32>, vector<16xi32> -> vector<16xf32>
      %select_n3A_190 = arith.select %lt3A_4, %masked_sort3A_153, %rev3A_189 : vector<16xi1>, vector<16xf32>
      %rev3A_191 = arith.constant 15 : i32
      %rev3A_192 = vector.broadcast %rev3A_191 : i32 to vector<16xi32>
      %rev3A_193 = tpu.iota {dimensions = array<i32: 0>} : vector<16xi32>
      %rev3A_194 = arith.subi %rev3A_192, %rev3A_193 : vector<16xi32>
      %rev3A_195 = tpu.dynamic_gather %masked_sort3A_164[%rev3A_194] in [0] : vector<16xi32>, vector<16xi32> -> vector<16xi32>
      %select_n3A_196 = arith.select %lt3A_4, %masked_sort3A_154, %rev3A_195 : vector<16xi1>, vector<16xi32>
      %masked_sort3A_197 = arith.constant dense<true> : vector<16xi1>
      %masked_sort3A_198, %masked_sort3A_199, %masked_sort3A_200 = tpu.sort %select_n3A_190, %select_n3A_196 masked %masked_sort3A_197 {descending = true} : (vector<16xf32>, vector<16xi32>, vector<16xi1>) -> (vector<16xi1>, vector<16xf32>, vector<16xi32>)
      %rev3A_201 = arith.constant 15 : i32
      %rev3A_202 = vector.broadcast %rev3A_201 : i32 to vector<16xi32>
      %rev3A_203 = tpu.iota {dimensions = array<i32: 0>} : vector<16xi32>
      %rev3A_204 = arith.subi %rev3A_202, %rev3A_203 : vector<16xi32>
      %rev3A_205 = tpu.dynamic_gather %masked_sort3A_183[%rev3A_204] in [0] : vector<16xf32>, vector<16xi32> -> vector<16xf32>
      %select_n3A_206 = arith.select %lt3A_4, %masked_sort3A_173, %rev3A_205 : vector<16xi1>, vector<16xf32>
      %rev3A_207 = arith.constant 15 : i32
      %rev3A_208 = vector.broadcast %rev3A_207 : i32 to vector<16xi32>
      %rev3A_209 = tpu.iota {dimensions = array<i32: 0>} : vector<16xi32>
      %rev3A_210 = arith.subi %rev3A_208, %rev3A_209 : vector<16xi32>
      %rev3A_211 = tpu.dynamic_gather %masked_sort3A_184[%rev3A_210] in [0] : vector<16xi32>, vector<16xi32> -> vector<16xi32>
      %select_n3A_212 = arith.select %lt3A_4, %masked_sort3A_174, %rev3A_211 : vector<16xi1>, vector<16xi32>
      %masked_sort3A_213 = arith.constant dense<true> : vector<16xi1>
      %masked_sort3A_214, %masked_sort3A_215, %masked_sort3A_216 = tpu.sort %select_n3A_206, %select_n3A_212 masked %masked_sort3A_213 {descending = true} : (vector<16xf32>, vector<16xi32>, vector<16xi1>) -> (vector<16xi1>, vector<16xf32>, vector<16xi32>)
      %rev3A_217 = arith.constant 15 : i32
      %rev3A_218 = vector.broadcast %rev3A_217 : i32 to vector<16xi32>
      %rev3A_219 = tpu.iota {dimensions = array<i32: 0>} : vector<16xi32>
      %rev3A_220 = arith.subi %rev3A_218, %rev3A_219 : vector<16xi32>
      %rev3A_221 = tpu.dynamic_gather %masked_sort3A_215[%rev3A_220] in [0] : vector<16xf32>, vector<16xi32> -> vector<16xf32>
      %select_n3A_222 = arith.select %lt3A_4, %masked_sort3A_199, %rev3A_221 : vector<16xi1>, vector<16xf32>
      %rev3A_223 = arith.constant 15 : i32
      %rev3A_224 = vector.broadcast %rev3A_223 : i32 to vector<16xi32>
      %rev3A_225 = tpu.iota {dimensions = array<i32: 0>} : vector<16xi32>
      %rev3A_226 = arith.subi %rev3A_224, %rev3A_225 : vector<16xi32>
      %rev3A_227 = tpu.dynamic_gather %masked_sort3A_216[%rev3A_226] in [0] : vector<16xi32>, vector<16xi32> -> vector<16xi32>
      %select_n3A_228 = arith.select %lt3A_4, %masked_sort3A_200, %rev3A_227 : vector<16xi1>, vector<16xi32>
      %masked_sort3A_229 = arith.constant dense<true> : vector<16xi1>
      %masked_sort3A_230, %masked_sort3A_231, %masked_sort3A_232 = tpu.sort %select_n3A_222, %select_n3A_228 masked %masked_sort3A_229 {descending = true} : (vector<16xf32>, vector<16xi32>, vector<16xi1>) -> (vector<16xi1>, vector<16xf32>, vector<16xi32>)
      %broadcast_in_dim3A = vector.shape_cast %max3A_8 : vector<16xi32> to vector<16x1xi32>
      %gather3A = vector.shape_cast %broadcast_in_dim3A : vector<16x1xi32> to vector<16xi32>
      %gather3A_233 = tpu.dynamic_gather %masked_sort3A_231[%gather3A] in [0] : vector<16xf32>, vector<16xi32> -> vector<16xf32>
      %broadcast_in_dim3A_234 = vector.shape_cast %max3A_8 : vector<16xi32> to vector<16x1xi32>
      %gather3A_235 = vector.shape_cast %broadcast_in_dim3A_234 : vector<16x1xi32> to vector<16xi32>
      %gather3A_236 = tpu.dynamic_gather %masked_sort3A_232[%gather3A_235] in [0] : vector<16xi32>, vector<16xi32> -> vector<16xi32>
      %select_n3A_237 = arith.select %lt3A_4, %masked_sort3A_141, %gather3A_233 : vector<16xi1>, vector<16xf32>
      %mul3A_238 = arith.constant 8 : i32
      %mul3A_239 = arith.muli %mul3A_58, %mul3A_238 : i32
      %swap3A = arith.index_cast %mul3A_239 : i32 to index
      %swap3A_240 = tpu.vector_load %arg6[%swap3A] {strides = array<i32>} : memref<2048xf32, #tpu.memory_space<vmem>>, vector<16xf32>,
      tpu.vector_store %arg6[%swap3A], %select_n3A_237 {strides = array<i32>} : memref<2048xf32, #tpu.memory_space<vmem>>, vector<16xf32>,
      %select_n3A_241 = arith.select %lt3A_4, %masked_sort3A_142, %gather3A_236 : vector<16xi1>, vector<16xi32>
      %mul3A_242 = arith.constant 8 : i32
      %mul3A_243 = arith.muli %mul3A_58, %mul3A_242 : i32
      %swap3A_244 = arith.index_cast %mul3A_243 : i32 to index
      %swap3A_245 = tpu.vector_load %arg7[%swap3A_244] {strides = array<i32>} : memref<2048xi32, #tpu.memory_space<vmem>>, vector<16xi32>,
      tpu.vector_store %arg7[%swap3A_244], %select_n3A_241 {strides = array<i32>} : memref<2048xi32, #tpu.memory_space<vmem>>, vector<16xi32>,
    }
    %scan3A_51 = arith.constant 128 : i32
    %mul3A_52 = arith.constant 8 : i32
    %mul3A_53 = arith.muli %add3A_45, %mul3A_52 : i32
    "tpu.region"() ({
      %run_scoped3A = tpu.sem_alloc : memref<!tpu.dma_semaphore, #tpu.memory_space<semaphore_mem>>
      %dma_start3A = tpu.memref_slice %arg3[%mul3A_53] : memref<262144xf32, #tpu.memory_space<hbm>> -> memref<2048xf32, #tpu.memory_space<hbm>>
      %dma_start3A_56 = tpu.memref_slice %arg3[%mul3A_53] : memref<262144xf32, #tpu.memory_space<hbm>> -> memref<2048xf32, #tpu.memory_space<hbm>>
      tpu.enqueue_dma source(%arg6 : memref<2048xf32, #tpu.memory_space<vmem>>) target(%dma_start3A_56 : memref<2048xf32, #tpu.memory_space<hbm>>) target_semaphore(%run_scoped3A : memref<!tpu.dma_semaphore, #tpu.memory_space<semaphore_mem>>)
      %dma_wait3A = tpu.memref_slice %arg3[%mul3A_53] : memref<262144xf32, #tpu.memory_space<hbm>> -> memref<2048xf32, #tpu.memory_space<hbm>>
      %dma_wait3A_57 = tpu.memref_slice %arg3[%mul3A_53] : memref<262144xf32, #tpu.memory_space<hbm>> -> memref<2048xf32, #tpu.memory_space<hbm>>
      tpu.wait_dma2 semaphore(%run_scoped3A : memref<!tpu.dma_semaphore, #tpu.memory_space<semaphore_mem>>) src(%arg6 : memref<2048xf32, #tpu.memory_space<vmem>>) dst(%dma_wait3A_57 : memref<2048xf32, #tpu.memory_space<hbm>>)
      tpu.yield
    }) : () -> ()
    %mul3A_54 = arith.constant 8 : i32
    %mul3A_55 = arith.muli %add3A_45, %mul3A_54 : i32
    "tpu.region"() ({
      %run_scoped3A = tpu.sem_alloc : memref<!tpu.dma_semaphore, #tpu.memory_space<semaphore_mem>>
      %dma_start3A = tpu.memref_slice %arg4[%mul3A_55] : memref<262144xi32, #tpu.memory_space<hbm>> -> memref<2048xi32, #tpu.memory_space<hbm>>
      %dma_start3A_56 = tpu.memref_slice %arg4[%mul3A_55] : memref<262144xi32, #tpu.memory_space<hbm>> -> memref<2048xi32, #tpu.memory_space<hbm>>
      tpu.enqueue_dma source(%arg7 : memref<2048xi32, #tpu.memory_space<vmem>>) target(%dma_start3A_56 : memref<2048xi32, #tpu.memory_space<hbm>>) target_semaphore(%run_scoped3A : memref<!tpu.dma_semaphore, #tpu.memory_space<semaphore_mem>>)
      %dma_wait3A = tpu.memref_slice %arg4[%mul3A_55] : memref<262144xi32, #tpu.memory_space<hbm>> -> memref<2048xi32, #tpu.memory_space<hbm>>
      %dma_wait3A_57 = tpu.memref_slice %arg4[%mul3A_55] : memref<262144xi32, #tpu.memory_space<hbm>> -> memref<2048xi32, #tpu.memory_space<hbm>>
      tpu.wait_dma2 semaphore(%run_scoped3A : memref<!tpu.dma_semaphore, #tpu.memory_space<semaphore_mem>>) src(%arg7 : memref<2048xi32, #tpu.memory_space<vmem>>) dst(%dma_wait3A_57 : memref<2048xi32, #tpu.memory_space<hbm>>)
      tpu.yield
    }) : () -> ()
    return
  }
}

module attributes {stable_mosaic.version = 14 : i64} {
  func.func @_probs_body(%arg0: i32, %arg1: memref<2048x768xf32, #tpu.memory_space<vmem>>, %arg2: memref<64x768xf32, #tpu.memory_space<vmem>>, %arg3: memref<2048x64xf32, #tpu.memory_space<vmem>>) attributes {dimension_semantics = [#tpu.dimension_semantics<arbitrary>], iteration_bounds = array<i64: 16>, scalar_prefetch = 0 : i64, scratch_operands = 0 : i64, tpu.core_type = #tpu.core_type<tc>, window_params = [{transform_indices = @transform_0, window_bounds = array<i64: 2048, 768>}, {pipeline_mode = #tpu.pipeline_mode<synchronous>, transform_indices = @transform_1, window_bounds = array<i64: 64, 768>}, {transform_indices = @transform_2, window_bounds = array<i64: 2048, 64>}]} {
    %get3A = arith.constant 0 : index
    %get3A_0 = arith.constant 0 : index
    %get3A_1 = vector.load %arg1[%get3A, %get3A_0] : memref<2048x768xf32, #tpu.memory_space<vmem>>, vector<2048x768xf32>
    %get3A_2 = arith.constant 0 : index
    %get3A_3 = arith.constant 0 : index
    %get3A_4 = vector.load %arg2[%get3A_2, %get3A_3] : memref<64x768xf32, #tpu.memory_space<vmem>>, vector<64x768xf32>
    %dot_general3A = arith.constant dense<0.000000e+00> : vector<2048x64xf32>
    %dot_general3A_5 = tpu.matmul %get3A_1, %get3A_4, %dot_general3A {dimension_numbers = #tpu.dot_dimension_numbers<[1], [1], [0], [0], [0, 0, 1, 0], [], []>, transpose_lhs_hint = false} : vector<2048x768xf32>, vector<64x768xf32>, vector<2048x64xf32> -> vector<2048x64xf32>
    %exp3A = math.exp %dot_general3A_5 : vector<2048x64xf32>
    %reduce_sum3A = arith.constant dense<0.000000e+00> : vector<2048xf32>
    %reduce_sum3A_6 = vector.multi_reduction <add>, %exp3A, %reduce_sum3A [1] : vector<2048x64xf32> to vector<2048xf32>
    %broadcast_in_dim3A = vector.shape_cast %reduce_sum3A_6 : vector<2048xf32> to vector<2048x1xf32>
    %div3A = vector.broadcast %broadcast_in_dim3A : vector<2048x1xf32> to vector<2048x64xf32>
    %div3A_7 = arith.divf %exp3A, %div3A : vector<2048x64xf32>
    %swap3A = arith.constant 0 : index
    %swap3A_8 = arith.constant 0 : index
    %swap3A_9 = vector.load %arg3[%swap3A, %swap3A_8] : memref<2048x64xf32, #tpu.memory_space<vmem>>, vector<2048x64xf32>
    tpu.vector_store %arg3[%swap3A, %swap3A_8], %div3A_7 {strides = array<i32>} : memref<2048x64xf32, #tpu.memory_space<vmem>>, vector<2048x64xf32>,
    return
  }
  func.func @transform_0(%arg0: i32) -> (i32, i32) {
    %c0_i32 = arith.constant 0 : i32
    %c0_i32_0 = arith.constant 0 : i32
    return %arg0, %c0_i32 : i32, i32
  }
  func.func @transform_1(%arg0: i32) -> (i32, i32) {
    %c0_i32 = arith.constant 0 : i32
    %c0_i32_0 = arith.constant 0 : i32
    %c0_i32_1 = arith.constant 0 : i32
    return %c0_i32, %c0_i32_0 : i32, i32
  }
  func.func @transform_2(%arg0: i32) -> (i32, i32) {
    %c0_i32 = arith.constant 0 : i32
    %c0_i32_0 = arith.constant 0 : i32
    return %arg0, %c0_i32 : i32, i32
  }
}

</mosaic_0001>

<sc_bundles>
// kernel: kernel.4.cloned.1.call-start
scs
__scs_entry_jumppad:
0x0: {  	(pc) =	sbr.rel $0x88, $3  }
0x1: {  	(tag) =	ssettag $0x0;
	lr =	simm.s32 $0x1  }
0x2: {  	[smem:$0x3F9F] =	sst lr;
	_ =	strace $0xD0000000  }
0x3: {  	_ = 	snop  }
0x4: {  	_ = 	snop  }
0x5: {  	_ = 	snop  }
0x6: {  	_ = 	snop  }
0x7: {  	_ = 	snop  }
__scs_overlays_trampoline_lowered:
0x8: {  	[smem:$0x3FAE] =	sst s0  }
0x9: {  	[smem:$0x3FAF] =	sst s1  }
0xa: {  	[smem:$0x3FB0] =	sst s2  }
0xb: {  	[smem:$0x3FB1] =	sst s3  }
0xc: {  	[smem:$0x3FB2] =	sst s4  }
0xd: {  	[smem:$0x3FB3] =	sst s5  }
0xe: {  	[smem:$0x3FB4] =	sst s6  }
0xf: {  	[smem:$0x3FB5] =	sst s7  }
0x10: {  	[smem:$0x3FB6] =	sst s8  }
0x11: {  	[smem:$0x3FB7] =	sst s9;
	s0 =	simm.s32 @!p0 $0x0  }
0x12: {  	s1 =	sld [smem:$0x3F9D];
	s0 =	simm.s32 @p0 $0x1  }
0x13: {  	[smem:$0x3FB8] =	sst s0;
	s0 =	simm.s32 @!p1 $0x0  }
0x14: {  	s2 =	sld [smem:$0x3F9C];
	s0 =	simm.s32 @p1 $0x1  }
0x15: {  	[smem:$0x3FB9] =	sst s0;
	s0 =	simm.s32 @!p2 $0x0  }
0x16: {  	s3 =	sld [smem:$0x3FDB];
	s0 =	simm.s32 @p2 $0x1  }
0x17: {  	s4 =	simm.s32 $0x1BF5;
	[smem:$0x3FBB] =	sst s0  }
0x18: {  	s0 =	sld [smem:$0x3F9E];
	_ =	swait.ge [sflag:s4], $0x0  }
0x19: {  	s7 =	sld [smem:$0x3F9F]  }
0x1a: {  	s8 =	sadd.s32 $0xFFFFE003, lr  }
0x1b: {  	s9 =	sadd.s32 $0xFFFFFEF7, lr;
	s5 =	simm.s32 $0xFFFFFFFF;
	p2 =	slt.u32 s8, $0xFFFFF086  }
0x1c: {  	p1 =	slt.u32 s9, $0xF7A;
	s5 =	simm.s32 @!p2 $0x0  }
0x1d: {  	s5 =	simm.s32 @p1 $0x1;
	p0 =	seq.s32 s7, s2  }
0x1e: {  	s7 =	smul.u32 @!p0 $0xF7A, s2;
	p2 =	seq.s32 @!p0 s5, $0x0  }
0x1f: {  	s9 =	smul.u32 $0xF7A, s1;
	s8 =	simm.s32 @!p0 $0x1BF5;
	p2 =	por !p2, p0  }
0x20: {  	[sflag:s8] =	ssyncset.s32 @!p0 $0xFFFFF086;
	s6 =	sadd.s32 @!p0 s3, s7;
	s7 =	simm.s32 @!p0 $0x108  }
0x21: {  	s3 =	sadd.s32 s3, s9;
	s6 =	sadd.s32 @!p0 $0x88, s6;
	s7 =	simm.s32 @p2 $0x1082  }
0x22: {  	[simem:s7], [sflag:s8] =	dma.local @!p0 [hbm:s6], $0xF7A  }
0x23: {  	s9 =	sor.u32 $0xD0000000, s2;
	s6 =	simm.s32 $0x108;
	_ =	swait.ge @!p0 [sflag:s8], $0x0  }
0x24: {  	s3 =	sadd.s32 $0x88, s3;
	s6 =	simm.s32 @!p1 $0x1082;
	[sflag:s4] =	ssyncset.s32 $0xFFFFF086  }
0x25: {  	[simem:s6], [sflag:s4] =	dma.local [hbm:s3], $0xF7A  }
0x26: {  	[smem:$0x3F9F] =	sst s1;
	(tag) =	ssettag s2;
	_ =	strace s9  }
0x27: {  	s1 =	sld [smem:$0x3FAF]  }
0x28: {  	s2 =	sld [smem:$0x3FB0]  }
0x29: {  	s4 =	sld [smem:$0x3FB2]  }
0x2a: {  	p0 =	seq.s32 s5, $0x0;
	s5 =	sld [smem:$0x3FB3]  }
0x2b: {  	s6 =	sld [smem:$0x3FB4]  }
0x2c: {  	s7 =	sld [smem:$0x3FB5]  }
0x2d: {  	s3 =	simm.s32 $0x108;
	s8 =	sld [smem:$0x3FB6]  }
0x2e: {  	s3 =	simm.s32 @!p0 $0x1082;
	s9 =	sld [smem:$0x3FB7]  }
0x2f: {  	lr =	sadd.s32 s0, s3;
	s0 =	sld [smem:$0x3FAE]  }
0x30: {  	s3 =	sld [smem:$0x3FB1]  }
0x31: {  	[smem:$0x3FBA] =	sst s10  }
0x32: {  	s10 =	sld [smem:$0x3FB8];
	_ =	sdelay $0x3  }
0x33: {  	p0 =	seq.s32 s10, $0x1;
	s10 =	sld [smem:$0x3FBA];
	_ =	sdelay $0x3  }
0x34: {  	[smem:$0x3FBA] =	sst s10  }
0x35: {  	s10 =	sld [smem:$0x3FB9];
	_ =	sdelay $0x3  }
0x36: {  	p1 =	seq.s32 s10, $0x1;
	s10 =	sld [smem:$0x3FBA];
	_ =	sdelay $0x3  }
0x37: {  	[smem:$0x3FBA] =	sst s10  }
0x38: {  	s10 =	sld [smem:$0x3FBB]  }
0x39: {  	_ = 	snop;
	(pc) =	sbr.ind lr, $3  }
0x3a: {  	_ = 	snop  }
0x3b: {  	_ = 	snop  }
0x3c: {  	p2 =	seq.s32 s10, $0x1;
	s10 =	sld [smem:$0x3FBA]  }
0x3d: {  	_ =	shalt  }
0x3e: {  	_ =	shalt  }
0x3f: {  	_ =	shalt  }
0x40: {  	_ =	shalt  }
0x41: {  	_ =	shalt  }
0x42: {  	_ =	shalt  }
0x43: {  	_ =	shalt  }
0x44: {  	_ =	shalt  }
0x45: {  	_ =	shalt  }
0x46: {  	_ =	shalt  }
0x47: {  	_ =	shalt  }
0x48: {  	_ =	shalt  }
0x49: {  	_ =	shalt  }
0x4a: {  	_ =	shalt  }
0x4b: {  	_ =	shalt  }
0x4c: {  	_ =	shalt  }
0x4d: {  	_ =	shalt  }
0x4e: {  	_ =	shalt  }
0x4f: {  	_ =	shalt  }
0x50: {  	_ =	shalt  }
0x51: {  	_ =	shalt  }
0x52: {  	_ =	shalt  }
0x53: {  	_ =	shalt  }
0x54: {  	_ =	shalt  }
0x55: {  	_ =	shalt  }
0x56: {  	_ =	shalt  }
0x57: {  	_ =	shalt  }
0x58: {  	_ =	shalt  }
0x59: {  	_ =	shalt  }
0x5a: {  	_ =	shalt  }
0x5b: {  	_ =	shalt  }
0x5c: {  	_ =	shalt  }
0x5d: {  	_ =	shalt  }
0x5e: {  	_ =	shalt  }
0x5f: {  	_ =	shalt  }
0x60: {  	_ =	shalt  }
0x61: {  	_ =	shalt  }
0x62: {  	_ =	shalt  }
0x63: {  	_ =	shalt  }
0x64: {  	_ =	shalt  }
0x65: {  	_ =	shalt  }
0x66: {  	_ =	shalt  }
0x67: {  	_ =	shalt  }
0x68: {  	_ =	shalt  }
0x69: {  	_ =	shalt  }
0x6a: {  	_ =	shalt  }
0x6b: {  	_ =	shalt  }
0x6c: {  	_ =	shalt  }
0x6d: {  	_ =	shalt  }
0x6e: {  	_ =	shalt  }
0x6f: {  	_ =	shalt  }
0x70: {  	_ =	shalt  }
0x71: {  	_ =	shalt  }
0x72: {  	_ =	shalt  }
0x73: {  	_ =	shalt  }
0x74: {  	_ =	shalt  }
0x75: {  	_ =	shalt  }
0x76: {  	_ =	shalt  }
0x77: {  	_ =	shalt  }
0x78: {  	_ =	shalt  }
0x79: {  	_ =	shalt  }
0x7a: {  	_ =	shalt  }
0x7b: {  	_ =	shalt  }
0x7c: {  	_ =	shalt  }
0x7d: {  	_ =	shalt  }
0x7e: {  	_ =	shalt  }
0x7f: {  	_ =	shalt  }
0x80: {  	_ =	shalt  }
0x81: {  	_ =	shalt  }
0x82: {  	_ =	shalt  }
0x83: {  	_ =	shalt  }
0x84: {  	_ =	shalt  }
0x85: {  	_ =	shalt  }
0x86: {  	_ =	shalt  }
0x87: {  	_ =	shalt  }
.Lfunc_end0:
.L_simem_size_0:
called_computation_lowered:
.L_overlay_start_0:
0x88: {  	s2 =	sld [smem:$0x3FD9]  }
0x89: {  	s3 =	sld [smem:$0x3FFE];
	_ =	sdelay $0x1  }
0x8a: {  	s1 =	srdreg.scid  }
0x8b: {  	s0 =	sand.u32 $0x1, s1  }
0x8c: {  	s14 =	sshll.u32 s0, $0xA;
	s2 =	sadd.s32 s3, s2  }
0x8d: {  	s2 =	sadd.s32 s2, s14  }
0x8e: {  	[smem:$0x3FC6] =	sst s2  }
0x8f: {  	_ = 	snop  }
0x90: {  	s2 =	sld [smem:$0x3FD0];
	_ =	sdelay $0x2  }
0x91: {  	s15 =	simm.s32 $0xA;
	s4 =	simm.s32 $0x10  }
0x92: {  	[smem:s4], [sflag:s15] =	dma.local [hbm:s2], $0x1  }
0x93: {  	_ =	swait.eq [sflag:s15], $0x1  }
0x94: {  	[sflag:s15] =	ssyncset.done $0x0  }
0x95: {  	[sflag:s15] =	ssyncadd.s32 $0xFFFFFFFF  }
0x96: {  	s16 =	sld [smem:$0x12];
	(tm) =	ssettm $0x1  }
0x97: {  	s17 =	sld [smem:$0x3FFB];
	_ =	sdelay $0x3  }
0x98: {  	_ =	strace s17  }
0x99: {  	s3 =	sld [smem:$0x3FFC];
	_ =	sdelay $0x3  }
0x9a: {  	_ =	strace s3  }
0x9b: {  	s3 =	sld [smem:$0x3FFD];
	_ =	sdelay $0x3  }
0x9c: {  	_ =	strace s3  }
0x9d: {  	_ =	strace $0x8FFFFFFF  }
0x9e: {  	s18 =	sld [smem:$0x3FDB];
	_ =	sdelay $0x1  }
0x9f: {  	s19 =	simm.s32 $_scs_section_size  }
0xa0: {  	s5 =	simm.s32 $_size__tile_overlayer_lowered;
	s6 =	simm.s32 $_tile_overlayer_lowered  }
0xa1: {  	s22 =	simm.s32 $0x1BFF;
	s21 =	sshll.u32 s6, $0x1;
	s3 =	sadd.s32 s19, s18  }
0xa2: {  	s7 =	simm.s32 $0x0;
	s20 =	sshll.u32 s5, $0x1;
	s5 =	sadd.s32 s21, s3  }
0xa3: {  	[timem:s7], [sflag:s22] =	dma.local [hbm:s5], s20  }
0xa4: {  	_ =	swait.ge [sflag:s22], s20  }
0xa5: {  	s4 =	ssub.s32 $0x0, s20;
	[sflag:s22] =	ssyncset.done $0x0  }
0xa6: {  	[sflag:s22] =	ssyncadd.s32 s4;
	_ =	sdelay $0x1  }
0xa7: {  	s23 =	simm.s32 $0x1B8B  }
0xa8: {  	_ =	swait.ge [sflag:s23], $0x1  }
0xa9: {  	[sflag:s23] =	ssyncset.done $0x0  }
0xaa: {  	s25 =	simm.s32 $0x1B8E;
	s24 =	sld [smem:$0x3FFE];
	[sflag:s23] =	ssyncadd.s32 $0xFFFFFFFF  }
0xab: {  	s26 =	simm.s32 $execute0_lowered;
	[smem:$0x3FD2] =	sst s25  }
0xac: {  	s5 =	sshll.u32 s26, $0x1;
	_ =	strace $0x80000046;
	[dreg:$0x1] =	wrdreg $0xFFFFFFFF  }
0xad: {  	s28 =	simm.s32 $_size_execute0_lowered;
	s3 =	sadd.s32 s3, s5;
	[dreg:$0x0] =	wrdreg $0x0  }
0xae: {  	s5 =	sshll.u32 s28, $0x1;
	[dreg:$0x2] =	wrdreg s3  }
0xaf: {  	[dreg:$0x3] =	wrdreg s5  }
0xb0: {  	[dreg:$0x4] =	wrdreg $0xC0  }
0xb1: {  	_ =	task [dreg:s7], $0x5FFFF  }
0xb2: {  	[dreg:$0x1] =	wrdreg $0xFFFFFFFF  }
0xb3: {  	[dreg:$0x0] =	wrdreg $0x60  }
0xb4: {  	[dreg:$0x2] =	wrdreg s24  }
0xb5: {  	[dreg:$0x3] =	wrdreg s16  }
0xb6: {  	[dreg:$0x4] =	wrdreg $0x9  }
0xb7: {  	_ =	task.clear_ibuf [dreg:s7], $0x5FFFF;
	_ =	strace $0x90000046  }
0xb8: {  	s29 =	simm.s32 $0x9;
	_ =	strace $0x80000048  }
0xb9: {  	_ =	swait.ge [sflag:s29], $0x1  }
0xba: {  	[sflag:s29] =	ssyncadd.s32 $0xFFFFFFFF  }
0xbb: {  	_ =	strace $0x90000048  }
0xbc: {  	_ =	sfence  }
0xbd: {  	s30 =	sld [smem:$0x0];
	_ =	sdelay $0x2  }
0xbe: {  	s31 =	sshll.u32 s1, $0xD;
	s1 =	sshrl.u32 s1, $0x2  }
0xbf: {  	s3 =	sand.u32 $0x4000, s31;
	s1 =	sadd.s32 s1, s30  }
0xc0: {  	s0 =	sor.u32 s3, s0;
	s1 =	sshll.u32 s1, $0x11  }
0xc1: {  	s0 =	sor.u32 s1, s0  }
0xc2: {  	s0 =	sadd.s32 $0x8F2B, s0  }
0xc3: {  	[sflag:s0] =	ssyncadd.remote.s32 $0x1  }
0xc4: {  	_ =	sfence.sel $0xFFFF  }
0xc5: {  	[dreg:$0x0] =	wrdreg $0xFFFFFFFF;
	(pc) =	sbr.abs _section_cstart, $3  }
0xc6: {  	[dreg:$0x1] =	wrdreg $0xFFFFFFFF  }
0xc7: {  	_ =	task.clear_ibuf [dreg:s7], $0x2FFFF;
	_ =	strace $0x9FFFFFFF  }
0xc8: {  	(tm) =	ssettm $0x7FFFFFFF  }
0xc9: {  	_ =	shalt  }
tec
execute0_lowered:
.L_overlay_start_1:
0x0: {  	(tag) =	ssettag $0x1  }
0x1: {  	s3 =	rddreg [dreg:$0x0]  }
0x2: {  	s13 =	rddreg [dreg:$0x1]  }
0x3: {  	s0 =	rddreg [dreg:$0x2];
	s2 =	simm.s32 $0x0;
	s4 =	srdreg.scid  }
0x4: {  	s1 =	stileid.u32;
	s18 =	simm.s32 $0x8800;
	s19 =	simm.s32 $0x0  }
0x5: {  	[smem:$0x7FF] =	sst s2;
	s12 =	sadd.s32 $0x1000, s3;
	s4 =	sand.u32 $0x1, s4  }
0x6: {  	s5 =	sshll.u32 s1, $0x1;
	s14 =	sadd.s32 $0x81000, s3;
	s30 =	ssub.s32 $0x2, s4  }
0x7: {  	v0 =	vimm.s32 $0xE40000;
	_ =	strace $0x80000047;
	s4 =	sor.u32 s4, s5;
	s31 =	sshrl.u32 s30, $0x1  }
0x8: {  	v0 =	vunpack.c.l.s2.s4 v0;
	s9 =	sshll.u32 s4, $0xA;
	s4 =	sshll.u32 s4, $0xE;
	s15 =	ssub.s32 s30, s31  }
0x9: {  	s3 =	sadd.s32 s12, s4;
	s8 =	sor.u32 $0x100, s9;
	s4 =	sadd.s32 s13, s9  }
0xa: {  	v2 =	vunpack.c.l.s4.s8 v0;
	s5 =	sadd.s32 s14, s9;
	s11 =	sor.u32 $0x200, s9;
	s16 =	sor.u32 $0x300, s9  }
0xb: {  	v3 =	vimm.s32 $0x7060504;
	s6 =	sshll.u32 s8, $0x4;
	s7 =	sadd.s32 s13, s8;
	s8 =	sadd.s32 s14, s8  }
0xc: {  	vm1 =	vcmask $0x3F30;
	v0 =	vlaneseq.u32;
	s10 =	sshll.u32 s11, $0x4;
	s17 =	sshll.u32 s16, $0x4;
	v4 =	vunpack.c.0.s8.s32 v2;
	s15 =	smax.u32 s15, $0x1  }
0xd: {  	vm0 =	vmmov $0xff;
	v6 =	vunpack.c.0.s8.s32 v3;
	v5 =	vmul.u32 $0xFFFFFFFF, v0;
	s6 =	sadd.s32 s12, s6;
	s9 =	sadd.s32 s12, s10;
	s10 =	sadd.s32 s13, s11  }
0xe: {  	v1 =	vor.u32 $0x10, v0;
	v3 =	vor.u32 $0x30, v0;
	s11 =	sadd.s32 s14, s11;
	s12 =	sadd.s32 s12, s17;
	s13 =	sadd.s32 s13, s16;
	v7 =	vand.u32 $0x3, v4  }
0xf: {  	v2 =	vor.u32 $0x20, v0;
	s14 =	sadd.s32 s14, s16;
	s16 =	simm.s32 $0x1;
	s17 =	simm.s32 $0x8000;
	v4 =	vadd.s32 $0xF, v5;
	v5 =	vsel vm1, v6, v7  }
.LBB2_1:
0x10: {  	[tilespmem:s2], [sflag:$0x1] =	stream.linear.gather [hbm4b:s3+s2], $0x8000, $0x38;
	[tilespmem:$0x9000] =	vst v63  }
0x11: {  	_ =	swait.ge [sflag:s16], $0x8000  }
0x12: {  	[sflag:s16] =	ssyncset.done $0x0  }
0x13: {  	s20 =	simm.s32 $0x80;
	[sflag:s16] =	ssyncadd.s32 $0xFFFF8000  }
0x14: {  	v6 =	vld [tilespmem:s20+$0x10]  }
0x15: {  	v7 =	vld [tilespmem:s20+$0x30]  }
0x16: {  	v8 =	vld [tilespmem:s20+$0x20]  }
0x17: {  	v9 =	vld [tilespmem:s20+$0x0];
	_ =	sdelay $0x1  }
0x18: {  	v10 =	vld [tilespmem:s20+$0xFFFFFFB0];
	(xrf1) =	vsort.dscd.msk.f32 $0xffff, v6, v1  }
0x19: {  	v11 =	vld [tilespmem:s20+$0xFFFFFF90];
	(xrf1) =	vsort.dscd.msk.f32 $0xffff, v7, v3  }
0x1a: {  	v6 =	vld [tilespmem:s20+$0xFFFFFFA0];
	(xrf1) =	vsort.dscd.msk.f32 $0xffff, v8, v2  }
0x1b: {  	(xrf1) =	vsort.dscd.msk.f32 $0xffff, v9, v0  }
0x1c: {  	v7 =	vld [tilespmem:s20+$0xFFFFFF80]  }
0x1d: {  	(xrf1) =	vsort.dscd.msk.f32 $0xffff, v10, v3  }
0x1e: {  	(xrf1) =	vsort.dscd.msk.f32 $0xffff, v11, v1  }
0x1f: {  	(xrf1) =	vsort.dscd.msk.f32 $0xffff, v6, v2;
	_ =	sdelay $0x1  }
0x20: {  	(xrf1) =	vsort.dscd.msk.f32 $0xffff, v7, v0;
	_ =	sdelay $0x4  }
0x21: {  	v6, v7, _ =	vpop (xrf1)  }
0x22: {  	v49, v50, _ =	vpop (xrf1)  }
0x23: {  	v6 =	vperm.xlane v6, v4;
	v7 =	vperm.xlane v7, v4;
	v51, v52, _ =	vpop (xrf1)  }
0x24: {  	v8 =	vperm.xlane v49, v4;
	v9 =	vperm.xlane v50, v4;
	v12, v13, _ =	vpop (xrf1)  }
0x25: {  	v6 =	vsel vm0, v12, v6  }
0x26: {  	v8 =	vsel vm0, v51, v8;
	v9 =	vsel vm0, v52, v9;
	v53, v54, _ =	vpop (xrf1);
	v7 =	vsel vm0, v13, v7  }
0x27: {  	v10 =	vperm.xlane v53, v4;
	v11 =	vperm.xlane v54, v4;
	v55, v14, _ =	vpop (xrf1);
	(xrf1) =	vsort.dscd.msk.f32 $0xffff, v8, v9  }
0x28: {  	v56 =	vperm.xlane v55, v4;
	v57 =	vperm.xlane v14, v4;
	v58, v59, _ =	vpop (xrf1)  }
0x29: {  	(xrf1) =	vsort.dscd.msk.f32 $0xffff, v6, v7;
	v10 =	vsel vm0, v58, v10;
	v11 =	vsel vm0, v59, v11  }
0x2a: {  	v6, v7, _ =	vpop (xrf1);
	(xrf1) =	vsort.dscd.msk.f32 $0xffff, v10, v11  }
0x2b: {  	v6 =	vsel vm0, v6, v56;
	v7 =	vsel vm0, v7, v57  }
0x2c: {  	(xrf1) =	vsort.dscd.msk.f32 $0xffff, v6, v7;
	_ =	sdelay $0x8  }
0x2d: {  	v6, v7, _ =	vpop (xrf1)  }
0x2e: {  	v6 =	vperm.xlane v6, v4;
	v7 =	vperm.xlane v7, v4  }
0x2f: {  	v60, v61, _ =	vpop (xrf1)  }
0x30: {  	v10, v11, _ =	vpop (xrf1);
	v6 =	vsel vm0, v60, v6;
	v7 =	vsel vm0, v61, v7  }
0x31: {  	v10 =	vperm.xlane v10, v4;
	v11 =	vperm.xlane v11, v4;
	(xrf1) =	vsort.dscd.msk.f32 $0xffff, v6, v7  }
0x32: {  	v62, v63, _ =	vpop (xrf1)  }
0x33: {  	v6 =	vsel vm0, v62, v10;
	v7 =	vsel vm0, v63, v11  }
0x34: {  	s22 =	simm.s32 $0x40;
	s21 =	simm.s32 $0x0;
	(xrf1) =	vsort.dscd.msk.f32 $0xffff, v6, v7  }
.LBB2_2:
0x35: {  	_ =	sdelay $0x3  }
0x36: {  	p0 =	sne.s32 s22, $0x1FC0  }
0x37: {  	s20 =	sadd.s32 $0x100, s20;
	s23 =	smov.u32 s22;
	s22 =	sadd.s32 $0x40, s22  }
0x38: {  	_ =	sdelay $0x3  }
0x39: {  	v6, v7, _ =	vpop (xrf1);
	_ =	sdelay $0x1  }
0x3a: {  	v6 =	vperm.xlane v6, v5;
	v7 =	vperm.xlane v7, v5  }
0x3b: {  	v8, v9, _ =	vpop (xrf1)  }
0x3c: {  	s24 =	sshra.s32 s21, $0x2;
	s21 =	smov.u32 s23;
	v6 =	vsel vm0, v8, v6;
	v7 =	vsel vm0, v9, v7  }
0x3d: {  	[tilespmem:s24+$0x8000] =	vst v6  }
0x3e: {  	[tilespmem:s24+$0x8800] =	vst v7  }
0x3f: {  	v6 =	vld [tilespmem:s20+$0x10]  }
0x40: {  	v7 =	vld [tilespmem:s20+$0x30]  }
0x41: {  	v8 =	vld [tilespmem:s20+$0x20]  }
0x42: {  	v9 =	vld [tilespmem:s20+$0x0]  }
0x43: {  	v10 =	vld [tilespmem:s20+$0xFFFFFFB0]  }
0x44: {  	v11 =	vld [tilespmem:s20+$0xFFFFFF90];
	(xrf1) =	vsort.dscd.msk.f32 $0xffff, v6, v1  }
0x45: {  	v6 =	vld [tilespmem:s20+$0xFFFFFFA0];
	(xrf1) =	vsort.dscd.msk.f32 $0xffff, v7, v3  }
0x46: {  	v7 =	vld [tilespmem:s20+$0xFFFFFF80];
	(xrf1) =	vsort.dscd.msk.f32 $0xffff, v8, v2  }
0x47: {  	(xrf1) =	vsort.dscd.msk.f32 $0xffff, v9, v0  }
0x48: {  	(xrf1) =	vsort.dscd.msk.f32 $0xffff, v10, v3  }
0x49: {  	(xrf1) =	vsort.dscd.msk.f32 $0xffff, v11, v1  }
0x4a: {  	(xrf1) =	vsort.dscd.msk.f32 $0xffff, v6, v2  }
0x4b: {  	(xrf1) =	vsort.dscd.msk.f32 $0xffff, v7, v0;
	_ =	sdelay $0x6  }
0x4c: {  	v6, v7, _ =	vpop (xrf1)  }
0x4d: {  	v6 =	vperm.xlane v6, v4;
	v8, v9, _ =	vpop (xrf1)  }
0x4e: {  	v8 =	vperm.xlane v8, v4;
	v9 =	vperm.xlane v9, v4;
	v10, v11, _ =	vpop (xrf1)  }
0x4f: {  	v7 =	vperm.xlane v7, v4;
	v12, v13, _ =	vpop (xrf1)  }
0x50: {  	v6 =	vsel vm0, v12, v6;
	v8 =	vsel vm0, v10, v8;
	v9 =	vsel vm0, v11, v9;
	v10, v11, _ =	vpop (xrf1)  }
0x51: {  	v10 =	vperm.xlane v10, v4;
	v11 =	vperm.xlane v11, v4;
	v12, v14, _ =	vpop (xrf1);
	(xrf1) =	vsort.dscd.msk.f32 $0xffff, v8, v9  }
0x52: {  	v7 =	vsel vm0, v13, v7;
	v8 =	vperm.xlane v12, v4;
	v9 =	vperm.xlane v14, v4;
	v12, v13, _ =	vpop (xrf1)  }
0x53: {  	v10 =	vsel vm0, v12, v10;
	v11 =	vsel vm0, v13, v11;
	v12, v13, _ =	vpop (xrf1);
	(xrf1) =	vsort.dscd.msk.f32 $0xffff, v6, v7  }
0x54: {  	v6 =	vsel vm0, v12, v8;
	v7 =	vsel vm0, v13, v9;
	(xrf1) =	vsort.dscd.msk.f32 $0xffff, v10, v11;
	_ =	sdelay $0x1  }
0x55: {  	(xrf1) =	vsort.dscd.msk.f32 $0xffff, v6, v7;
	_ =	sdelay $0x8  }
0x56: {  	v6, v7, _ =	vpop (xrf1)  }
0x57: {  	v6 =	vperm.xlane v6, v4;
	v12 =	vperm.xlane v7, v4  }
0x58: {  	v8, v9, _ =	vpop (xrf1)  }
.Ltmp0:
0x59: {  	v11 =	vsel vm0, v8, v6;
	v10 =	vsel vm0, v9, v12;
	v8, v9, _ =	vpop (xrf1);
	(pc) =	sbr.rel @p0 .LBB2_2-.Ltmp0, $4  }
0x5a: {  	v8 =	vperm.xlane v8, v4;
	v9 =	vperm.xlane v9, v4;
	(xrf1) =	vsort.dscd.msk.f32 $0xffff, v11, v10  }
0x5b: {  	v6, v7, _ =	vpop (xrf1)  }
0x5c: {  	v6 =	vsel vm0, v6, v8;
	v7 =	vsel vm0, v7, v9  }
0x5d: {  	(xrf1) =	vsort.dscd.msk.f32 $0xffff, v6, v7  }
0x5e: {  	_ =	sdelay $0xa  }
0x5f: {  	v6, v7, _ =	vpop (xrf1)  }
0x60: {  	v6 =	vperm.xlane v6, v5  }
0x61: {  	v7 =	vperm.xlane v7, v5;
	v8, v9, _ =	vpop (xrf1)  }
0x62: {  	s20 =	sshra.s32 s21, $0x2;
	v6 =	vsel vm0, v8, v6  }
0x63: {  	v7 =	vsel vm0, v9, v7;
	[tilespmem:s20+$0x8000] =	vst v6  }
0x64: {  	[tilespmem:s20+$0x8800] =	vst v7;
	s20 =	simm.s32 $0x0  }
0x65: {  	[hbm4b:s4+s20] =	stream.linear.scatter [tilespmem:s17], [sflag:$0x1], $0x800, $0x38;
	[tilespmem:$0x9000] =	vst v63  }
0x66: {  	_ =	swait.ge [sflag:s16], $0x800  }
0x67: {  	[sflag:s16] =	ssyncset.done $0x0  }
0x68: {  	[sflag:s16] =	ssyncadd.s32 $0xFFFFF800  }
0x69: {  	[hbm4b:s5+s20] =	stream.linear.scatter [tilespmem:s18], [sflag:$0x1], $0x800, $0x38;
	[tilespmem:$0x9000] =	vst v63  }
0x6a: {  	_ =	swait.ge [sflag:s16], $0x800  }
0x6b: {  	[sflag:s16] =	ssyncset.done $0x0  }
0x6c: {  	[sflag:s16] =	ssyncadd.s32 $0xFFFFF800  }
0x6d: {  	[tilespmem:s20], [sflag:$0x1] =	stream.linear.gather [hbm4b:s6+s20], $0x8000, $0x38;
	[tilespmem:$0x9000] =	vst v63  }
0x6e: {  	_ =	swait.ge [sflag:s16], $0x8000  }
0x6f: {  	[sflag:s16] =	ssyncset.done $0x0  }
0x70: {  	s21 =	simm.s32 $0x80;
	[sflag:s16] =	ssyncadd.s32 $0xFFFF8000  }
0x71: {  	v6 =	vld [tilespmem:s21+$0x10]  }
0x72: {  	v7 =	vld [tilespmem:s21+$0x30]  }
0x73: {  	v47 =	vld [tilespmem:s21+$0x20]  }
0x74: {  	v48 =	vld [tilespmem:s21+$0x0];
	_ =	sdelay $0x1  }
0x75: {  	v10 =	vld [tilespmem:s21+$0xFFFFFFB0];
	(xrf1) =	vsort.dscd.msk.f32 $0xffff, v6, v1  }
0x76: {  	v11 =	vld [tilespmem:s21+$0xFFFFFF90];
	(xrf1) =	vsort.dscd.msk.f32 $0xffff, v7, v3  }
0x77: {  	v6 =	vld [tilespmem:s21+$0xFFFFFFA0];
	(xrf1) =	vsort.dscd.msk.f32 $0xffff, v47, v2  }
0x78: {  	(xrf1) =	vsort.dscd.msk.f32 $0xffff, v48, v0  }
0x79: {  	v7 =	vld [tilespmem:s21+$0xFFFFFF80]  }
0x7a: {  	(xrf1) =	vsort.dscd.msk.f32 $0xffff, v10, v3  }
0x7b: {  	(xrf1) =	vsort.dscd.msk.f32 $0xffff, v11, v1  }
0x7c: {  	(xrf1) =	vsort.dscd.msk.f32 $0xffff, v6, v2;
	_ =	sdelay $0x1  }
0x7d: {  	(xrf1) =	vsort.dscd.msk.f32 $0xffff, v7, v0;
	_ =	sdelay $0x4  }
0x7e: {  	v6, v7, _ =	vpop (xrf1)  }
0x7f: {  	v49, v50, _ =	vpop (xrf1)  }
0x80: {  	v6 =	vperm.xlane v6, v4;
	v7 =	vperm.xlane v7, v4;
	v51, v52, _ =	vpop (xrf1)  }
0x81: {  	v8 =	vperm.xlane v49, v4;
	v9 =	vperm.xlane v50, v4;
	v12, v13, _ =	vpop (xrf1)  }
0x82: {  	v6 =	vsel vm0, v12, v6  }
0x83: {  	v8 =	vsel vm0, v51, v8;
	v9 =	vsel vm0, v52, v9;
	v53, v54, _ =	vpop (xrf1);
	v7 =	vsel vm0, v13, v7  }
0x84: {  	v10 =	vperm.xlane v53, v4;
	v11 =	vperm.xlane v54, v4;
	v55, v14, _ =	vpop (xrf1);
	(xrf1) =	vsort.dscd.msk.f32 $0xffff, v8, v9  }
0x85: {  	v56 =	vperm.xlane v55, v4;
	v57 =	vperm.xlane v14, v4;
	v58, v59, _ =	vpop (xrf1)  }
0x86: {  	(xrf1) =	vsort.dscd.msk.f32 $0xffff, v6, v7;
	v10 =	vsel vm0, v58, v10;
	v11 =	vsel vm0, v59, v11  }
0x87: {  	v6, v7, _ =	vpop (xrf1);
	(xrf1) =	vsort.dscd.msk.f32 $0xffff, v10, v11  }
0x88: {  	v6 =	vsel vm0, v6, v56;
	v7 =	vsel vm0, v7, v57  }
0x89: {  	(xrf1) =	vsort.dscd.msk.f32 $0xffff, v6, v7;
	_ =	sdelay $0x8  }
0x8a: {  	v6, v7, _ =	vpop (xrf1)  }
0x8b: {  	v6 =	vperm.xlane v6, v4;
	v7 =	vperm.xlane v7, v4  }
0x8c: {  	v60, v61, _ =	vpop (xrf1)  }
0x8d: {  	v10, v11, _ =	vpop (xrf1);
	v6 =	vsel vm0, v60, v6;
	v7 =	vsel vm0, v61, v7  }
0x8e: {  	v10 =	vperm.xlane v10, v4;
	v11 =	vperm.xlane v11, v4;
	(xrf1) =	vsort.dscd.msk.f32 $0xffff, v6, v7  }
0x8f: {  	v62, v63, _ =	vpop (xrf1)  }
0x90: {  	v6 =	vsel vm0, v62, v10;
	v7 =	vsel vm0, v63, v11  }
0x91: {  	s22 =	simm.s32 $0x40;
	(xrf1) =	vsort.dscd.msk.f32 $0xffff, v6, v7  }
.LBB2_4:
0x92: {  	_ =	sdelay $0x3  }
0x93: {  	p0 =	sne.s32 s22, $0x1FC0  }
0x94: {  	s21 =	sadd.s32 $0x100, s21;
	s23 =	smov.u32 s22;
	s22 =	sadd.s32 $0x40, s22  }
0x95: {  	_ =	sdelay $0x3  }
0x96: {  	v6, v7, _ =	vpop (xrf1);
	_ =	sdelay $0x1  }
0x97: {  	v6 =	vperm.xlane v6, v5;
	v7 =	vperm.xlane v7, v5  }
0x98: {  	v8, v9, _ =	vpop (xrf1)  }
0x99: {  	s24 =	sshra.s32 s20, $0x2;
	s20 =	smov.u32 s23;
	v6 =	vsel vm0, v8, v6;
	v7 =	vsel vm0, v9, v7  }
0x9a: {  	[tilespmem:s24+$0x8000] =	vst v6  }
0x9b: {  	[tilespmem:s24+$0x8800] =	vst v7  }
0x9c: {  	v6 =	vld [tilespmem:s21+$0x10]  }
0x9d: {  	v7 =	vld [tilespmem:s21+$0x30]  }
0x9e: {  	v8 =	vld [tilespmem:s21+$0x20]  }
0x9f: {  	v9 =	vld [tilespmem:s21+$0x0]  }
0xa0: {  	v10 =	vld [tilespmem:s21+$0xFFFFFFB0]  }
0xa1: {  	v11 =	vld [tilespmem:s21+$0xFFFFFF90];
	(xrf1) =	vsort.dscd.msk.f32 $0xffff, v6, v1  }
0xa2: {  	v6 =	vld [tilespmem:s21+$0xFFFFFFA0];
	(xrf1) =	vsort.dscd.msk.f32 $0xffff, v7, v3  }
0xa3: {  	v7 =	vld [tilespmem:s21+$0xFFFFFF80];
	(xrf1) =	vsort.dscd.msk.f32 $0xffff, v8, v2  }
0xa4: {  	(xrf1) =	vsort.dscd.msk.f32 $0xffff, v9, v0  }
0xa5: {  	(xrf1) =	vsort.dscd.msk.f32 $0xffff, v10, v3  }
0xa6: {  	(xrf1) =	vsort.dscd.msk.f32 $0xffff, v11, v1  }
0xa7: {  	(xrf1) =	vsort.dscd.msk.f32 $0xffff, v6, v2  }
0xa8: {  	(xrf1) =	vsort.dscd.msk.f32 $0xffff, v7, v0;
	_ =	sdelay $0x6  }
0xa9: {  	v6, v7, _ =	vpop (xrf1)  }
0xaa: {  	v6 =	vperm.xlane v6, v4;
	v8, v9, _ =	vpop (xrf1)  }
0xab: {  	v8 =	vperm.xlane v8, v4;
	v9 =	vperm.xlane v9, v4;
	v10, v11, _ =	vpop (xrf1)  }
0xac: {  	v7 =	vperm.xlane v7, v4;
	v12, v13, _ =	vpop (xrf1)  }
0xad: {  	v6 =	vsel vm0, v12, v6;
	v8 =	vsel vm0, v10, v8;
	v9 =	vsel vm0, v11, v9;
	v10, v11, _ =	vpop (xrf1)  }
0xae: {  	v10 =	vperm.xlane v10, v4;
	v11 =	vperm.xlane v11, v4;
	v12, v14, _ =	vpop (xrf1);
	(xrf1) =	vsort.dscd.msk.f32 $0xffff, v8, v9  }
0xaf: {  	v7 =	vsel vm0, v13, v7;
	v8 =	vperm.xlane v12, v4;
	v9 =	vperm.xlane v14, v4;
	v12, v13, _ =	vpop (xrf1)  }
0xb0: {  	v10 =	vsel vm0, v12, v10;
	v11 =	vsel vm0, v13, v11;
	v12, v13, _ =	vpop (xrf1);
	(xrf1) =	vsort.dscd.msk.f32 $0xffff, v6, v7  }
0xb1: {  	v6 =	vsel vm0, v12, v8;
	v7 =	vsel vm0, v13, v9;
	(xrf1) =	vsort.dscd.msk.f32 $0xffff, v10, v11;
	_ =	sdelay $0x1  }
0xb2: {  	(xrf1) =	vsort.dscd.msk.f32 $0xffff, v6, v7;
	_ =	sdelay $0x8  }
0xb3: {  	v6, v7, _ =	vpop (xrf1)  }
0xb4: {  	v6 =	vperm.xlane v6, v4;
	v12 =	vperm.xlane v7, v4  }
0xb5: {  	v8, v9, _ =	vpop (xrf1)  }
.Ltmp1:
0xb6: {  	v11 =	vsel vm0, v8, v6;
	v10 =	vsel vm0, v9, v12;
	v8, v9, _ =	vpop (xrf1);
	(pc) =	sbr.rel @p0 .LBB2_4-.Ltmp1, $4  }
0xb7: {  	v8 =	vperm.xlane v8, v4;
	v9 =	vperm.xlane v9, v4;
	(xrf1) =	vsort.dscd.msk.f32 $0xffff, v11, v10  }
0xb8: {  	v6, v7, _ =	vpop (xrf1)  }
0xb9: {  	v6 =	vsel vm0, v6, v8;
	v7 =	vsel vm0, v7, v9  }
0xba: {  	(xrf1) =	vsort.dscd.msk.f32 $0xffff, v6, v7  }
0xbb: {  	_ =	sdelay $0xa  }
0xbc: {  	v6, v7, _ =	vpop (xrf1)  }
0xbd: {  	v6 =	vperm.xlane v6, v5  }
0xbe: {  	v7 =	vperm.xlane v7, v5;
	v8, v9, _ =	vpop (xrf1)  }
0xbf: {  	s20 =	sshra.s32 s20, $0x2;
	v6 =	vsel vm0, v8, v6  }
0xc0: {  	v7 =	vsel vm0, v9, v7;
	[tilespmem:s20+$0x8000] =	vst v6  }
0xc1: {  	[tilespmem:s20+$0x8800] =	vst v7;
	s20 =	simm.s32 $0x0  }
0xc2: {  	[hbm4b:s7+s20] =	stream.linear.scatter [tilespmem:s17], [sflag:$0x1], $0x800, $0x38;
	[tilespmem:$0x9000] =	vst v63  }
0xc3: {  	_ =	swait.ge [sflag:s16], $0x800  }
0xc4: {  	[sflag:s16] =	ssyncset.done $0x0  }
0xc5: {  	[sflag:s16] =	ssyncadd.s32 $0xFFFFF800  }
0xc6: {  	[hbm4b:s8+s20] =	stream.linear.scatter [tilespmem:s18], [sflag:$0x1], $0x800, $0x38;
	[tilespmem:$0x9000] =	vst v63  }
0xc7: {  	_ =	swait.ge [sflag:s16], $0x800  }
0xc8: {  	[sflag:s16] =	ssyncset.done $0x0  }
0xc9: {  	[sflag:s16] =	ssyncadd.s32 $0xFFFFF800  }
0xca: {  	[tilespmem:s20], [sflag:$0x1] =	stream.linear.gather [hbm4b:s9+s20], $0x8000, $0x38;
	[tilespmem:$0x9000] =	vst v63  }
0xcb: {  	_ =	swait.ge [sflag:s16], $0x8000  }
0xcc: {  	[sflag:s16] =	ssyncset.done $0x0  }
0xcd: {  	s21 =	simm.s32 $0x80;
	[sflag:s16] =	ssyncadd.s32 $0xFFFF8000  }
0xce: {  	v6 =	vld [tilespmem:s21+$0x10]  }
0xcf: {  	v7 =	vld [tilespmem:s21+$0x30]  }
0xd0: {  	v47 =	vld [tilespmem:s21+$0x20]  }
0xd1: {  	v48 =	vld [tilespmem:s21+$0x0];
	_ =	sdelay $0x1  }
0xd2: {  	v10 =	vld [tilespmem:s21+$0xFFFFFFB0];
	(xrf1) =	vsort.dscd.msk.f32 $0xffff, v6, v1  }
0xd3: {  	v11 =	vld [tilespmem:s21+$0xFFFFFF90];
	(xrf1) =	vsort.dscd.msk.f32 $0xffff, v7, v3  }
0xd4: {  	v6 =	vld [tilespmem:s21+$0xFFFFFFA0];
	(xrf1) =	vsort.dscd.msk.f32 $0xffff, v47, v2  }
0xd5: {  	(xrf1) =	vsort.dscd.msk.f32 $0xffff, v48, v0  }
0xd6: {  	v7 =	vld [tilespmem:s21+$0xFFFFFF80]  }
0xd7: {  	(xrf1) =	vsort.dscd.msk.f32 $0xffff, v10, v3  }
0xd8: {  	(xrf1) =	vsort.dscd.msk.f32 $0xffff, v11, v1  }
0xd9: {  	(xrf1) =	vsort.dscd.msk.f32 $0xffff, v6, v2;
	_ =	sdelay $0x1  }
0xda: {  	(xrf1) =	vsort.dscd.msk.f32 $0xffff, v7, v0;
	_ =	sdelay $0x4  }
0xdb: {  	v6, v7, _ =	vpop (xrf1)  }
0xdc: {  	v49, v50, _ =	vpop (xrf1)  }
0xdd: {  	v6 =	vperm.xlane v6, v4;
	v7 =	vperm.xlane v7, v4;
	v51, v52, _ =	vpop (xrf1)  }
0xde: {  	v8 =	vperm.xlane v49, v4;
	v9 =	vperm.xlane v50, v4;
	v12, v13, _ =	vpop (xrf1)  }
0xdf: {  	v6 =	vsel vm0, v12, v6  }
0xe0: {  	v8 =	vsel vm0, v51, v8;
	v9 =	vsel vm0, v52, v9;
	v53, v54, _ =	vpop (xrf1);
	v7 =	vsel vm0, v13, v7  }
0xe1: {  	v10 =	vperm.xlane v53, v4;
	v11 =	vperm.xlane v54, v4;
	v55, v14, _ =	vpop (xrf1);
	(xrf1) =	vsort.dscd.msk.f32 $0xffff, v8, v9  }
0xe2: {  	v56 =	vperm.xlane v55, v4;
	v57 =	vperm.xlane v14, v4;
	v58, v59, _ =	vpop (xrf1)  }
0xe3: {  	(xrf1) =	vsort.dscd.msk.f32 $0xffff, v6, v7;
	v10 =	vsel vm0, v58, v10;
	v11 =	vsel vm0, v59, v11  }
0xe4: {  	v6, v7, _ =	vpop (xrf1);
	(xrf1) =	vsort.dscd.msk.f32 $0xffff, v10, v11  }
0xe5: {  	v6 =	vsel vm0, v6, v56;
	v7 =	vsel vm0, v7, v57  }
0xe6: {  	(xrf1) =	vsort.dscd.msk.f32 $0xffff, v6, v7;
	_ =	sdelay $0x8  }
0xe7: {  	v6, v7, _ =	vpop (xrf1)  }
0xe8: {  	v6 =	vperm.xlane v6, v4;
	v7 =	vperm.xlane v7, v4  }
0xe9: {  	v60, v61, _ =	vpop (xrf1)  }
0xea: {  	v10, v11, _ =	vpop (xrf1);
	v6 =	vsel vm0, v60, v6;
	v7 =	vsel vm0, v61, v7  }
0xeb: {  	v10 =	vperm.xlane v10, v4;
	v11 =	vperm.xlane v11, v4;
	(xrf1) =	vsort.dscd.msk.f32 $0xffff, v6, v7  }
0xec: {  	v62, v63, _ =	vpop (xrf1)  }
0xed: {  	v6 =	vsel vm0, v62, v10;
	v7 =	vsel vm0, v63, v11  }
0xee: {  	s22 =	simm.s32 $0x40;
	(xrf1) =	vsort.dscd.msk.f32 $0xffff, v6, v7  }
.LBB2_6:
0xef: {  	_ =	sdelay $0x3  }
0xf0: {  	p0 =	sne.s32 s22, $0x1FC0  }
0xf1: {  	s21 =	sadd.s32 $0x100, s21;
	s23 =	smov.u32 s22;
	s22 =	sadd.s32 $0x40, s22  }
0xf2: {  	_ =	sdelay $0x3  }
0xf3: {  	v6, v7, _ =	vpop (xrf1);
	_ =	sdelay $0x1  }
0xf4: {  	v6 =	vperm.xlane v6, v5;
	v7 =	vperm.xlane v7, v5  }
0xf5: {  	v8, v9, _ =	vpop (xrf1)  }
0xf6: {  	s24 =	sshra.s32 s20, $0x2;
	s20 =	smov.u32 s23;
	v6 =	vsel vm0, v8, v6;
	v7 =	vsel vm0, v9, v7  }
0xf7: {  	[tilespmem:s24+$0x8000] =	vst v6  }
0xf8: {  	[tilespmem:s24+$0x8800] =	vst v7  }
0xf9: {  	v6 =	vld [tilespmem:s21+$0x10]  }
0xfa: {  	v7 =	vld [tilespmem:s21+$0x30]  }
0xfb: {  	v8 =	vld [tilespmem:s21+$0x20]  }
0xfc: {  	v9 =	vld [tilespmem:s21+$0x0]  }
0xfd: {  	v10 =	vld [tilespmem:s21+$0xFFFFFFB0]  }
0xfe: {  	v11 =	vld [tilespmem:s21+$0xFFFFFF90];
	(xrf1) =	vsort.dscd.msk.f32 $0xffff, v6, v1  }
0xff: {  	v6 =	vld [tilespmem:s21+$0xFFFFFFA0];
	(xrf1) =	vsort.dscd.msk.f32 $0xffff, v7, v3  }
0x100: {  	v7 =	vld [tilespmem:s21+$0xFFFFFF80];
	(xrf1) =	vsort.dscd.msk.f32 $0xffff, v8, v2  }
0x101: {  	(xrf1) =	vsort.dscd.msk.f32 $0xffff, v9, v0  }
0x102: {  	(xrf1) =	vsort.dscd.msk.f32 $0xffff, v10, v3  }
0x103: {  	(xrf1) =	vsort.dscd.msk.f32 $0xffff, v11, v1  }
0x104: {  	(xrf1) =	vsort.dscd.msk.f32 $0xffff, v6, v2  }
0x105: {  	(xrf1) =	vsort.dscd.msk.f32 $0xffff, v7, v0;
	_ =	sdelay $0x6  }
0x106: {  	v6, v7, _ =	vpop (xrf1)  }
0x107: {  	v6 =	vperm.xlane v6, v4;
	v8, v9, _ =	vpop (xrf1)  }
0x108: {  	v8 =	vperm.xlane v8, v4;
	v9 =	vperm.xlane v9, v4;
	v10, v11, _ =	vpop (xrf1)  }
0x109: {  	v7 =	vperm.xlane v7, v4;
	v12, v13, _ =	vpop (xrf1)  }
0x10a: {  	v6 =	vsel vm0, v12, v6;
	v8 =	vsel vm0, v10, v8;
	v9 =	vsel vm0, v11, v9;
	v10, v11, _ =	vpop (xrf1)  }
0x10b: {  	v10 =	vperm.xlane v10, v4;
	v11 =	vperm.xlane v11, v4;
	v12, v14, _ =	vpop (xrf1);
	(xrf1) =	vsort.dscd.msk.f32 $0xffff, v8, v9  }
0x10c: {  	v7 =	vsel vm0, v13, v7;
	v8 =	vperm.xlane v12, v4;
	v9 =	vperm.xlane v14, v4;
	v12, v13, _ =	vpop (xrf1)  }
0x10d: {  	v10 =	vsel vm0, v12, v10;
	v11 =	vsel vm0, v13, v11;
	v12, v13, _ =	vpop (xrf1);
	(xrf1) =	vsort.dscd.msk.f32 $0xffff, v6, v7  }
0x10e: {  	v6 =	vsel vm0, v12, v8;
	v7 =	vsel vm0, v13, v9;
	(xrf1) =	vsort.dscd.msk.f32 $0xffff, v10, v11;
	_ =	sdelay $0x1  }
0x10f: {  	(xrf1) =	vsort.dscd.msk.f32 $0xffff, v6, v7;
	_ =	sdelay $0x8  }
0x110: {  	v6, v7, _ =	vpop (xrf1)  }
0x111: {  	v6 =	vperm.xlane v6, v4;
	v12 =	vperm.xlane v7, v4  }
0x112: {  	v8, v9, _ =	vpop (xrf1)  }
.Ltmp2:
0x113: {  	v11 =	vsel vm0, v8, v6;
	v10 =	vsel vm0, v9, v12;
	v8, v9, _ =	vpop (xrf1);
	(pc) =	sbr.rel @p0 .LBB2_6-.Ltmp2, $4  }
0x114: {  	v8 =	vperm.xlane v8, v4;
	v9 =	vperm.xlane v9, v4;
	(xrf1) =	vsort.dscd.msk.f32 $0xffff, v11, v10  }
0x115: {  	v6, v7, _ =	vpop (xrf1)  }
0x116: {  	v6 =	vsel vm0, v6, v8;
	v7 =	vsel vm0, v7, v9  }
0x117: {  	(xrf1) =	vsort.dscd.msk.f32 $0xffff, v6, v7  }
0x118: {  	_ =	sdelay $0xa  }
0x119: {  	v6, v7, _ =	vpop (xrf1)  }
0x11a: {  	v6 =	vperm.xlane v6, v5  }
0x11b: {  	v7 =	vperm.xlane v7, v5;
	v8, v9, _ =	vpop (xrf1)  }
0x11c: {  	s20 =	sshra.s32 s20, $0x2;
	v6 =	vsel vm0, v8, v6  }
0x11d: {  	v7 =	vsel vm0, v9, v7;
	[tilespmem:s20+$0x8000] =	vst v6  }
0x11e: {  	[tilespmem:s20+$0x8800] =	vst v7;
	s20 =	simm.s32 $0x0  }
0x11f: {  	[hbm4b:s10+s20] =	stream.linear.scatter [tilespmem:s17], [sflag:$0x1], $0x800, $0x38;
	[tilespmem:$0x9000] =	vst v63  }
0x120: {  	_ =	swait.ge [sflag:s16], $0x800  }
0x121: {  	[sflag:s16] =	ssyncset.done $0x0  }
0x122: {  	[sflag:s16] =	ssyncadd.s32 $0xFFFFF800  }
0x123: {  	[hbm4b:s11+s20] =	stream.linear.scatter [tilespmem:s18], [sflag:$0x1], $0x800, $0x38;
	[tilespmem:$0x9000] =	vst v63  }
0x124: {  	_ =	swait.ge [sflag:s16], $0x800  }
0x125: {  	[sflag:s16] =	ssyncset.done $0x0  }
0x126: {  	[sflag:s16] =	ssyncadd.s32 $0xFFFFF800  }
0x127: {  	[tilespmem:s20], [sflag:$0x1] =	stream.linear.gather [hbm4b:s12+s20], $0x8000, $0x38;
	[tilespmem:$0x9000] =	vst v63  }
0x128: {  	_ =	swait.ge [sflag:s16], $0x8000  }
0x129: {  	[sflag:s16] =	ssyncset.done $0x0  }
0x12a: {  	s21 =	simm.s32 $0x80;
	[sflag:s16] =	ssyncadd.s32 $0xFFFF8000  }
0x12b: {  	v6 =	vld [tilespmem:s21+$0x10]  }
0x12c: {  	v7 =	vld [tilespmem:s21+$0x30]  }
0x12d: {  	v47 =	vld [tilespmem:s21+$0x20]  }
0x12e: {  	v48 =	vld [tilespmem:s21+$0x0];
	_ =	sdelay $0x1  }
0x12f: {  	v10 =	vld [tilespmem:s21+$0xFFFFFFB0];
	(xrf1) =	vsort.dscd.msk.f32 $0xffff, v6, v1  }
0x130: {  	v11 =	vld [tilespmem:s21+$0xFFFFFF90];
	(xrf1) =	vsort.dscd.msk.f32 $0xffff, v7, v3  }
0x131: {  	v6 =	vld [tilespmem:s21+$0xFFFFFFA0];
	(xrf1) =	vsort.dscd.msk.f32 $0xffff, v47, v2  }
0x132: {  	(xrf1) =	vsort.dscd.msk.f32 $0xffff, v48, v0  }
0x133: {  	v7 =	vld [tilespmem:s21+$0xFFFFFF80]  }
0x134: {  	(xrf1) =	vsort.dscd.msk.f32 $0xffff, v10, v3  }
0x135: {  	(xrf1) =	vsort.dscd.msk.f32 $0xffff, v11, v1  }
0x136: {  	(xrf1) =	vsort.dscd.msk.f32 $0xffff, v6, v2;
	_ =	sdelay $0x1  }
0x137: {  	(xrf1) =	vsort.dscd.msk.f32 $0xffff, v7, v0;
	_ =	sdelay $0x4  }
0x138: {  	v6, v7, _ =	vpop (xrf1)  }
0x139: {  	v49, v50, _ =	vpop (xrf1)  }
0x13a: {  	v6 =	vperm.xlane v6, v4;
	v7 =	vperm.xlane v7, v4;
	v51, v52, _ =	vpop (xrf1)  }
0x13b: {  	v8 =	vperm.xlane v49, v4;
	v9 =	vperm.xlane v50, v4;
	v12, v13, _ =	vpop (xrf1)  }
0x13c: {  	v6 =	vsel vm0, v12, v6  }
0x13d: {  	v8 =	vsel vm0, v51, v8;
	v9 =	vsel vm0, v52, v9;
	v53, v54, _ =	vpop (xrf1);
	v7 =	vsel vm0, v13, v7  }
0x13e: {  	v10 =	vperm.xlane v53, v4;
	v11 =	vperm.xlane v54, v4;
	v55, v14, _ =	vpop (xrf1);
	(xrf1) =	vsort.dscd.msk.f32 $0xffff, v8, v9  }
0x13f: {  	v56 =	vperm.xlane v55, v4;
	v57 =	vperm.xlane v14, v4;
	v58, v59, _ =	vpop (xrf1)  }
0x140: {  	(xrf1) =	vsort.dscd.msk.f32 $0xffff, v6, v7;
	v10 =	vsel vm0, v58, v10;
	v11 =	vsel vm0, v59, v11  }
0x141: {  	v6, v7, _ =	vpop (xrf1);
	(xrf1) =	vsort.dscd.msk.f32 $0xffff, v10, v11  }
0x142: {  	v6 =	vsel vm0, v6, v56;
	v7 =	vsel vm0, v7, v57  }
0x143: {  	(xrf1) =	vsort.dscd.msk.f32 $0xffff, v6, v7;
	_ =	sdelay $0x8  }
0x144: {  	v6, v7, _ =	vpop (xrf1)  }
0x145: {  	v6 =	vperm.xlane v6, v4;
	v7 =	vperm.xlane v7, v4  }
0x146: {  	v60, v61, _ =	vpop (xrf1)  }
0x147: {  	v10, v11, _ =	vpop (xrf1);
	v6 =	vsel vm0, v60, v6;
	v7 =	vsel vm0, v61, v7  }
0x148: {  	v10 =	vperm.xlane v10, v4;
	v11 =	vperm.xlane v11, v4;
	(xrf1) =	vsort.dscd.msk.f32 $0xffff, v6, v7  }
0x149: {  	v62, v63, _ =	vpop (xrf1)  }
0x14a: {  	v6 =	vsel vm0, v62, v10;
	v7 =	vsel vm0, v63, v11  }
0x14b: {  	s22 =	simm.s32 $0x40;
	(xrf1) =	vsort.dscd.msk.f32 $0xffff, v6, v7  }
.LBB2_8:
0x14c: {  	_ =	sdelay $0x3  }
0x14d: {  	p0 =	sne.s32 s22, $0x1FC0  }
0x14e: {  	s21 =	sadd.s32 $0x100, s21;
	s23 =	smov.u32 s22;
	s22 =	sadd.s32 $0x40, s22  }
0x14f: {  	_ =	sdelay $0x3  }
0x150: {  	v6, v7, _ =	vpop (xrf1);
	_ =	sdelay $0x1  }
0x151: {  	v6 =	vperm.xlane v6, v5;
	v7 =	vperm.xlane v7, v5  }
0x152: {  	v8, v9, _ =	vpop (xrf1)  }
0x153: {  	s24 =	sshra.s32 s20, $0x2;
	s20 =	smov.u32 s23;
	v6 =	vsel vm0, v8, v6;
	v7 =	vsel vm0, v9, v7  }
0x154: {  	[tilespmem:s24+$0x8000] =	vst v6  }
0x155: {  	[tilespmem:s24+$0x8800] =	vst v7  }
0x156: {  	v6 =	vld [tilespmem:s21+$0x10]  }
0x157: {  	v7 =	vld [tilespmem:s21+$0x30]  }
0x158: {  	v8 =	vld [tilespmem:s21+$0x20]  }
0x159: {  	v9 =	vld [tilespmem:s21+$0x0]  }
0x15a: {  	v10 =	vld [tilespmem:s21+$0xFFFFFFB0]  }
0x15b: {  	v11 =	vld [tilespmem:s21+$0xFFFFFF90];
	(xrf1) =	vsort.dscd.msk.f32 $0xffff, v6, v1  }
0x15c: {  	v6 =	vld [tilespmem:s21+$0xFFFFFFA0];
	(xrf1) =	vsort.dscd.msk.f32 $0xffff, v7, v3  }
0x15d: {  	v7 =	vld [tilespmem:s21+$0xFFFFFF80];
	(xrf1) =	vsort.dscd.msk.f32 $0xffff, v8, v2  }
0x15e: {  	(xrf1) =	vsort.dscd.msk.f32 $0xffff, v9, v0  }
0x15f: {  	(xrf1) =	vsort.dscd.msk.f32 $0xffff, v10, v3  }
0x160: {  	(xrf1) =	vsort.dscd.msk.f32 $0xffff, v11, v1  }
0x161: {  	(xrf1) =	vsort.dscd.msk.f32 $0xffff, v6, v2  }
0x162: {  	(xrf1) =	vsort.dscd.msk.f32 $0xffff, v7, v0;
	_ =	sdelay $0x6  }
0x163: {  	v6, v7, _ =	vpop (xrf1)  }
0x164: {  	v6 =	vperm.xlane v6, v4;
	v8, v9, _ =	vpop (xrf1)  }
0x165: {  	v8 =	vperm.xlane v8, v4;
	v9 =	vperm.xlane v9, v4;
	v10, v11, _ =	vpop (xrf1)  }
0x166: {  	v7 =	vperm.xlane v7, v4;
	v12, v13, _ =	vpop (xrf1)  }
0x167: {  	v6 =	vsel vm0, v12, v6;
	v8 =	vsel vm0, v10, v8;
	v9 =	vsel vm0, v11, v9;
	v10, v11, _ =	vpop (xrf1)  }
0x168: {  	v10 =	vperm.xlane v10, v4;
	v11 =	vperm.xlane v11, v4;
	v12, v14, _ =	vpop (xrf1);
	(xrf1) =	vsort.dscd.msk.f32 $0xffff, v8, v9  }
0x169: {  	v7 =	vsel vm0, v13, v7;
	v8 =	vperm.xlane v12, v4;
	v9 =	vperm.xlane v14, v4;
	v12, v13, _ =	vpop (xrf1)  }
0x16a: {  	v10 =	vsel vm0, v12, v10;
	v11 =	vsel vm0, v13, v11;
	v12, v13, _ =	vpop (xrf1);
	(xrf1) =	vsort.dscd.msk.f32 $0xffff, v6, v7  }
0x16b: {  	v6 =	vsel vm0, v12, v8;
	v7 =	vsel vm0, v13, v9;
	(xrf1) =	vsort.dscd.msk.f32 $0xffff, v10, v11;
	_ =	sdelay $0x1  }
0x16c: {  	(xrf1) =	vsort.dscd.msk.f32 $0xffff, v6, v7;
	_ =	sdelay $0x8  }
0x16d: {  	v6, v7, _ =	vpop (xrf1)  }
0x16e: {  	v6 =	vperm.xlane v6, v4;
	v12 =	vperm.xlane v7, v4  }
0x16f: {  	v8, v9, _ =	vpop (xrf1)  }
.Ltmp3:
0x170: {  	v11 =	vsel vm0, v8, v6;
	v10 =	vsel vm0, v9, v12;
	v8, v9, _ =	vpop (xrf1);
	(pc) =	sbr.rel @p0 .LBB2_8-.Ltmp3, $4  }
0x171: {  	v8 =	vperm.xlane v8, v4;
	v9 =	vperm.xlane v9, v4;
	(xrf1) =	vsort.dscd.msk.f32 $0xffff, v11, v10  }
0x172: {  	v6, v7, _ =	vpop (xrf1)  }
0x173: {  	v6 =	vsel vm0, v6, v8;
	v7 =	vsel vm0, v7, v9  }
0x174: {  	(xrf1) =	vsort.dscd.msk.f32 $0xffff, v6, v7  }
0x175: {  	_ =	sdelay $0xa  }
0x176: {  	v6, v7, _ =	vpop (xrf1)  }
0x177: {  	v6 =	vperm.xlane v6, v5  }
0x178: {  	v7 =	vperm.xlane v7, v5;
	v8, v9, _ =	vpop (xrf1)  }
0x179: {  	s20 =	sshra.s32 s20, $0x2;
	v6 =	vsel vm0, v8, v6  }
0x17a: {  	v7 =	vsel vm0, v9, v7;
	[tilespmem:s20+$0x8000] =	vst v6  }
0x17b: {  	[tilespmem:s20+$0x8800] =	vst v7  }
0x17c: {  	[hbm4b:s13+s2] =	stream.linear.scatter [tilespmem:s17], [sflag:$0x1], $0x800, $0x38;
	[tilespmem:$0x9000] =	vst v63  }
0x17d: {  	s19 =	sadd.s32 $0x1, s19;
	_ =	swait.ge [sflag:s16], $0x800  }
0x17e: {  	p0 =	sne.s32 s19, s15;
	[sflag:s16] =	ssyncset.done $0x0  }
.Ltmp4:
0x17f: {  	[sflag:s16] =	ssyncadd.s32 $0xFFFFF800;
	(pc) =	sbr.rel @p0 .LBB2_1-.Ltmp4, $4  }
0x180: {  	[hbm4b:s14+s2] =	stream.linear.scatter [tilespmem:s18], [sflag:$0x1], $0x800, $0x38;
	[tilespmem:$0x9000] =	vst v63  }
0x181: {  	_ =	swait.ge [sflag:s16], $0x800  }
0x182: {  	[sflag:s16] =	ssyncset.done $0x0  }
0x183: {  	[sflag:s16] =	ssyncadd.s32 $0xFFFFF800  }
0x184: {  	_ =	sfence.sel $0x180000  }
0x185: {  	[bflag:$0x0] =	sbarrier.arrive $0xFFFF  }
0x186: {  	p0 =	sne.s32 s1, $0x0;
	_ =	strace $0x90000047  }
0x187: {  	s0 =	sadd.s32 @!p0 $0x100000, s0;
	[bflag:$0x2] =	sbarrier.arrive $0xFFFF  }
0x188: {  	[sflag:s0] =	ssyncadd.tile.s32 @!p0 $0x1;
	_ =	shalt  }
.Lfunc_end2:
_tile_overlayer_lowered:
.L_overlay_start_2:
0x189: {  	(tag) =	ssettag $0x2  }
0x18a: {  	s0 =	rddreg [dreg:$0x0];
	s2 =	stileid.u32  }
0x18b: {  	s1 =	rddreg [dreg:$0x1];
	p0 =	sne.s32 s2, $0x0  }
0x18c: {  	s3 =	rddreg [dreg:$0x2];
	[bflag:$0x3] =	sbarrier.arrive $0xFFFF;
	s2 =	simm.s32 @!p0 $0x1C01  }
0x18d: {  	[timem:s3], [sflag:s2] =	dma.local @!p0 [hbm:s0], s1  }
0x18e: {  	s0 =	simm.s32 @!p0 $0x1  }
0x18f: {  	_ =	swait.ge @!p0 [sflag:s0], s1  }
0x190: {  	s1 =	ssub.s32 @!p0 $0x0, s1;
	[sflag:s0] =	ssyncset.done @!p0 $0x0  }
0x191: {  	[sflag:s0] =	ssyncadd.s32 @!p0 s1  }
0x192: {  	[bflag:$0x3] =	sbarrier.arrive $0xFFFF  }
0x193: {  	_ =	shalt  }

</sc_bundles>
